<compile_context>
chip_gen: v7x
topology: tpu7x:2x2x1
jax: 0.10.2.dev20260603
libtpu: 0.0.44.dev20260713+nightly
codegen_flags: <defaults>
</compile_context>

<pallas_src>
import functools

import jax
import jax.numpy as jnp
from jax import lax
from jax.experimental import pallas as pl
from jax.experimental.pallas import tpu as pltpu
from jax.experimental.pallas import tpu_sc as plsc

_BLOCK = 2560


def _node_scalar_body(x_ref, we1_ref, be1_ref, we2_ref, be2_ref,
                      wa1_ref, ba1_ref, wa2_ref, ba2_ref, o_ref):
    x = x_ref[...]
    h = jnp.maximum(
        jnp.dot(x, we1_ref[...], preferred_element_type=jnp.float32)
        + be1_ref[...], 0.0)
    e = (jnp.dot(h, we2_ref[...], preferred_element_type=jnp.float32)
         + be2_ref[...])
    a = jnp.maximum(
        jnp.dot(e, wa1_ref[...], preferred_element_type=jnp.float32)
        + ba1_ref[...], 0.0)
    sblk = (jnp.dot(a, wa2_ref[...], preferred_element_type=jnp.float32)
            + ba2_ref[0, 0])
    i = pl.program_id(0)
    o_ref[pl.ds(i * _BLOCK, _BLOCK)] = sblk[:, 0]


def _node_scalars(nfeat, we1, be1, we2, be2, wa1, ba1, wa2, ba2):
    n, d = nfeat.shape

    def full(arr):
        return pl.BlockSpec(arr.shape, lambda i: (0,) * arr.ndim)

    grid = pl.cdiv(n, _BLOCK)
    n_out = grid * _BLOCK
    return pl.pallas_call(
        _node_scalar_body,
        grid=(grid,),
        in_specs=[
            pl.BlockSpec((_BLOCK, d), lambda i: (i, 0)),
            full(we1), full(be1), full(we2), full(be2),
            full(wa1), full(ba1), full(wa2), full(ba2),
        ],
        out_specs=pl.BlockSpec((n_out,), lambda i: (0,)),
        out_shape=jax.ShapeDtypeStruct((n_out,), jnp.float32),
    )(nfeat, we1, be1, we2, be2, wa1, ba1, wa2, ba2)


def _edge_means(s_vec, idx4t, idx8t):
    info = plsc.get_sparse_core_info()
    nc, ns, l = info.num_cores, info.num_subcores, info.num_lanes
    nw = nc * ns
    n_pad = s_vec.shape[0]
    s4, e4 = idx4t.shape
    s8, e8 = idx8t.shape
    ch4, ch8 = e4 // nw, e8 // nw
    mesh = plsc.VectorSubcoreMesh(core_axis_name="c", subcore_axis_name="s")

    @functools.partial(
        pl.kernel,
        mesh=mesh,
        out_type=jax.ShapeDtypeStruct((e4 + e8,), jnp.float32),
        compiler_params=pltpu.CompilerParams(needs_layout_passes=False),
        scratch_types=[
            pltpu.VMEM((n_pad,), jnp.float32),
            pltpu.VMEM((s4, ch4), jnp.int32),
            pltpu.VMEM((s8, ch8), jnp.int32),
            pltpu.VMEM((ch4,), jnp.float32),
            pltpu.VMEM((ch8,), jnp.float32),
            pltpu.SemaphoreType.DMA,
        ],
    )
    def k(s_hbm, i4_hbm, i8_hbm, out_hbm, s_v, i4_v, i8_v, o4_v, o8_v, sem):
        wid = lax.axis_index("s") * nc + lax.axis_index("c")
        c1 = pltpu.async_copy(s_hbm, s_v, sem)
        c2 = pltpu.async_copy(i4_hbm.at[:, pl.ds(wid * ch4, ch4)], i4_v, sem)
        c3 = pltpu.async_copy(i8_hbm.at[:, pl.ds(wid * ch8, ch8)], i8_v, sem)
        c1.wait()
        c2.wait()
        for t in range(ch4 // l):
            acc = jnp.zeros((l,), jnp.float32)
            for j in range(s4):
                acc = acc + plsc.load_gather(s_v, [i4_v[j, pl.ds(t * l, l)]])
            o4_v[pl.ds(t * l, l)] = acc * (1.0 / s4)
        c4 = pltpu.async_copy(o4_v, out_hbm.at[pl.ds(wid * ch4, ch4)], sem)
        c3.wait()
        for t in range(ch8 // l):
            acc = jnp.zeros((l,), jnp.float32)
            for j in range(s8):
                acc = acc + plsc.load_gather(s_v, [i8_v[j, pl.ds(t * l, l)]])
            o8_v[pl.ds(t * l, l)] = acc * (1.0 / s8)
        pltpu.sync_copy(o8_v, out_hbm.at[pl.ds(e4 + wid * ch8, ch8)])
        c4.wait()

    return k(s_vec, idx4t, idx8t)


def kernel(nfeat, hedges_s4, hedges_s8, W_e1, b_e1, W_e2, b_e2,
           W_a1, b_a1, W_a2, b_a2):
    s = _node_scalars(
        nfeat, W_e1, b_e1.reshape(1, -1), W_e2, b_e2.reshape(1, -1),
        W_a1, b_a1.reshape(1, -1), W_a2, b_a2.reshape(1, 1))
    idx4t = jnp.asarray(hedges_s4.T, jnp.int32)
    idx8t = jnp.asarray(hedges_s8.T, jnp.int32)
    return _edge_means(s, idx4t, idx8t)

# --- scband reference (transcript-rebuilt; emitter-appended) ---
"""Pipeline reference for scband-edge-predictor-15960098472055 (READ-ONLY COPY).

The authoritative reference and input builder live on the scoring server;
editing this copy changes nothing except your own understanding.
"""

import jax, jax.numpy as jnp
import numpy as np

N, D, H = 10000, 512, 512
E4, S4 = 8192, 4
E8, S8 = 8192, 8


def setup_inputs(seed: int = 0) -> dict:
    key = jax.random.key(seed)
    ks = jax.random.split(key, 10)
    inp = {
        "nfeat": jax.random.normal(ks[0], (N, D), dtype=jnp.float32),
        "hedges_s4": jax.random.randint(ks[1], (E4, S4), 0, N),
        "hedges_s8": jax.random.randint(ks[2], (E8, S8), 0, N),
        # encoder params (2-layer MLP)
        "W_e1": jax.random.normal(ks[3], (D, H), dtype=jnp.float32) * (1.0 / np.sqrt(D)),
        "b_e1": jnp.zeros((H,), jnp.float32),
        "W_e2": jax.random.normal(ks[4], (H, H), dtype=jnp.float32) * (1.0 / np.sqrt(H)),
        "b_e2": jnp.zeros((H,), jnp.float32),
        # aggregator params (per-node MLP -> mean pool -> scalar head)
        "W_a1": jax.random.normal(ks[5], (H, H), dtype=jnp.float32) * (1.0 / np.sqrt(H)),
        "b_a1": jnp.zeros((H,), jnp.float32),
        "W_a2": jax.random.normal(ks[6], (H, 1), dtype=jnp.float32) * (1.0 / np.sqrt(H)),
        "b_a2": jnp.zeros((1,), jnp.float32),
    }
    return inp


def reference(nfeat, hedges_s4, hedges_s8, W_e1, b_e1, W_e2, b_e2, W_a1, b_a1, W_a2, b_a2):
    # self.encoding(data): node encoder
    h = jax.nn.relu(jnp.dot(nfeat, W_e1) + b_e1)
    n_embed = jnp.dot(h, W_e2) + b_e2  # [N, H]

    # self.aggregate(n_embed, hedges, mode='Train') with edge_aggr='group':
    # hyperedges are grouped by size; each group is stacked into [E_g, S_g, H]
    preds = []
    for he_group in (hedges_s4, hedges_s8):
        he_feats = jnp.take(n_embed, he_group, axis=0)  # gather: [E_g, S_g, H]
        a = jax.nn.relu(jnp.dot(he_feats, W_a1) + b_a1)  # [E_g, S_g, H]
        pooled = jnp.mean(a, axis=1)                     # mean pool over hyperedge members
        pred = jnp.dot(pooled, W_a2) + b_a2              # [E_g, 1]
        preds.append(pred[:, 0])                         # seq.squeeze(-1)
    return jnp.concatenate(preds, axis=0)                # torch.cat over groups -> [E4+E8]

if __name__ == "__main__":
    import jax
    _d = setup_inputs()
    print(jax.jit(kernel)(*tuple(_d.values())))

</pallas_src>

<mosaic_0001>
#map = affine_map<(d0, d1) -> (0)>
#map1 = affine_map<(d0, d1) -> (0, 0)>
module attributes {stable_mosaic.version = 14 : i64} {
  func.func @k(%arg0: i32, %arg1: i32, %arg2: memref<10240xf32, #tpu.memory_space<hbm>>, %arg3: memref<4x8192xi32, #tpu.memory_space<hbm>>, %arg4: memref<8x8192xi32, #tpu.memory_space<hbm>>, %arg5: memref<16384xf32, #tpu.memory_space<hbm>>, %arg6: memref<10240xf32, #tpu.memory_space<vmem>>, %arg7: memref<4x256xi32, #tpu.memory_space<vmem>>, %arg8: memref<8x256xi32, #tpu.memory_space<vmem>>, %arg9: memref<256xf32, #tpu.memory_space<vmem>>, %arg10: memref<256xf32, #tpu.memory_space<vmem>>, %arg11: memref<!tpu.dma_semaphore, #tpu.memory_space<semaphore_mem>>) attributes {dimension_semantics = [#tpu.dimension_semantics<core_parallel>, #tpu.dimension_semantics<subcore_parallel>], iteration_bounds = array<i64: 2, 16>, scalar_prefetch = 0 : i64, scratch_operands = 6 : i64, tpu.core_type = #tpu.core_type<sc_vector_subcore>, window_params = [{transform_indices = #map}, {transform_indices = #map1}, {transform_indices = #map1}, {transform_indices = #map}]} {
    %mul3A = arith.constant 2 : i32
    %mul3A_0 = arith.muli %arg1, %mul3A : i32
    %add3A = arith.addi %mul3A_0, %arg0 : i32
    tpu.enqueue_dma source(%arg2 : memref<10240xf32, #tpu.memory_space<hbm>>) target(%arg6 : memref<10240xf32, #tpu.memory_space<vmem>>) target_semaphore(%arg11 : memref<!tpu.dma_semaphore, #tpu.memory_space<semaphore_mem>>)
    %mul3A_1 = arith.constant 256 : i32
    %mul3A_2 = arith.muli %add3A, %mul3A_1 : i32
    %dma_start3A = arith.constant 0 : i32
    %dma_start3A_3 = tpu.memref_slice %arg3[%dma_start3A, %mul3A_2] : memref<4x8192xi32, #tpu.memory_space<hbm>> -> memref<4x256xi32, #tpu.memory_space<hbm>>
    %dma_start3A_4 = arith.constant 0 : i32
    %dma_start3A_5 = tpu.memref_slice %arg3[%dma_start3A_4, %mul3A_2] : memref<4x8192xi32, #tpu.memory_space<hbm>> -> memref<4x256xi32, #tpu.memory_space<hbm>>
    tpu.enqueue_dma source(%dma_start3A_5 : memref<4x256xi32, #tpu.memory_space<hbm>>) target(%arg7 : memref<4x256xi32, #tpu.memory_space<vmem>>) target_semaphore(%arg11 : memref<!tpu.dma_semaphore, #tpu.memory_space<semaphore_mem>>)
    %mul3A_6 = arith.constant 256 : i32
    %mul3A_7 = arith.muli %add3A, %mul3A_6 : i32
    %dma_start3A_8 = arith.constant 0 : i32
    %dma_start3A_9 = tpu.memref_slice %arg4[%dma_start3A_8, %mul3A_7] : memref<8x8192xi32, #tpu.memory_space<hbm>> -> memref<8x256xi32, #tpu.memory_space<hbm>>
    %dma_start3A_10 = arith.constant 0 : i32
    %dma_start3A_11 = tpu.memref_slice %arg4[%dma_start3A_10, %mul3A_7] : memref<8x8192xi32, #tpu.memory_space<hbm>> -> memref<8x256xi32, #tpu.memory_space<hbm>>
    tpu.enqueue_dma source(%dma_start3A_11 : memref<8x256xi32, #tpu.memory_space<hbm>>) target(%arg8 : memref<8x256xi32, #tpu.memory_space<vmem>>) target_semaphore(%arg11 : memref<!tpu.dma_semaphore, #tpu.memory_space<semaphore_mem>>)
    tpu.wait_dma2 semaphore(%arg11 : memref<!tpu.dma_semaphore, #tpu.memory_space<semaphore_mem>>) src(%arg2 : memref<10240xf32, #tpu.memory_space<hbm>>) dst(%arg6 : memref<10240xf32, #tpu.memory_space<vmem>>)
    %dma_wait3A = arith.constant 0 : i32
    %dma_wait3A_12 = tpu.memref_slice %arg3[%dma_wait3A, %mul3A_2] : memref<4x8192xi32, #tpu.memory_space<hbm>> -> memref<4x256xi32, #tpu.memory_space<hbm>>
    %dma_wait3A_13 = arith.constant 0 : i32
    %dma_wait3A_14 = tpu.memref_slice %arg3[%dma_wait3A_13, %mul3A_2] : memref<4x8192xi32, #tpu.memory_space<hbm>> -> memref<4x256xi32, #tpu.memory_space<hbm>>
    tpu.wait_dma2 semaphore(%arg11 : memref<!tpu.dma_semaphore, #tpu.memory_space<semaphore_mem>>) src(%dma_wait3A_14 : memref<4x256xi32, #tpu.memory_space<hbm>>) dst(%arg7 : memref<4x256xi32, #tpu.memory_space<vmem>>)
    %broadcast_in_dim3A = arith.constant 0.000000e+00 : f32
    %broadcast_in_dim3A_15 = vector.broadcast %broadcast_in_dim3A : f32 to vector<16xf32>
    %get3A = arith.constant 0 : i32
    %get3A_16 = arith.index_cast %get3A : i32 to index
    %get3A_17 = arith.constant 0 : index
    %get3A_18 = tpu.vector_load %arg7[%get3A_16, %get3A_17] {strides = array<i32>} : memref<4x256xi32, #tpu.memory_space<vmem>>, vector<16xi32>,
    %gather3A = tpu.vector_load_idx %arg6[%get3A_18] : memref<10240xf32, #tpu.memory_space<vmem>>[vector<16xi32>], vector<16xf32>,
    %add3A_19 = arith.addf %broadcast_in_dim3A_15, %gather3A : vector<16xf32>
    %get3A_20 = arith.constant 1 : i32
    %get3A_21 = arith.index_cast %get3A_20 : i32 to index
    %get3A_22 = arith.constant 0 : index
    %get3A_23 = tpu.vector_load %arg7[%get3A_21, %get3A_22] {strides = array<i32>} : memref<4x256xi32, #tpu.memory_space<vmem>>, vector<16xi32>,
    %gather3A_24 = tpu.vector_load_idx %arg6[%get3A_23] : memref<10240xf32, #tpu.memory_space<vmem>>[vector<16xi32>], vector<16xf32>,
    %add3A_25 = arith.addf %add3A_19, %gather3A_24 : vector<16xf32>
    %get3A_26 = arith.constant 2 : i32
    %get3A_27 = arith.index_cast %get3A_26 : i32 to index
    %get3A_28 = arith.constant 0 : index
    %get3A_29 = tpu.vector_load %arg7[%get3A_27, %get3A_28] {strides = array<i32>} : memref<4x256xi32, #tpu.memory_space<vmem>>, vector<16xi32>,
    %gather3A_30 = tpu.vector_load_idx %arg6[%get3A_29] : memref<10240xf32, #tpu.memory_space<vmem>>[vector<16xi32>], vector<16xf32>,
    %add3A_31 = arith.addf %add3A_25, %gather3A_30 : vector<16xf32>
    %get3A_32 = arith.constant 3 : i32
    %get3A_33 = arith.index_cast %get3A_32 : i32 to index
    %get3A_34 = arith.constant 0 : index
    %get3A_35 = tpu.vector_load %arg7[%get3A_33, %get3A_34] {strides = array<i32>} : memref<4x256xi32, #tpu.memory_space<vmem>>, vector<16xi32>,
    %gather3A_36 = tpu.vector_load_idx %arg6[%get3A_35] : memref<10240xf32, #tpu.memory_space<vmem>>[vector<16xi32>], vector<16xf32>,
    %add3A_37 = arith.addf %add3A_31, %gather3A_36 : vector<16xf32>
    %mul3A_38 = arith.constant 2.500000e-01 : f32
    %mul3A_39 = vector.broadcast %mul3A_38 : f32 to vector<16xf32>
    %mul3A_40 = arith.mulf %add3A_37, %mul3A_39 : vector<16xf32>
    %swap3A = arith.constant 0 : index
    %swap3A_41 = tpu.vector_load %arg9[%swap3A] {strides = array<i32>} : memref<256xf32, #tpu.memory_space<vmem>>, vector<16xf32>,
    tpu.vector_store %arg9[%swap3A], %mul3A_40 {strides = array<i32>} : memref<256xf32, #tpu.memory_space<vmem>>, vector<16xf32>,
    %broadcast_in_dim3A_42 = arith.constant 0.000000e+00 : f32
    %broadcast_in_dim3A_43 = vector.broadcast %broadcast_in_dim3A_42 : f32 to vector<16xf32>
    %get3A_44 = arith.constant 0 : i32
    %get3A_45 = arith.index_cast %get3A_44 : i32 to index
    %get3A_46 = arith.constant 16 : index
    %get3A_47 = tpu.vector_load %arg7[%get3A_45, %get3A_46] {strides = array<i32>} : memref<4x256xi32, #tpu.memory_space<vmem>>, vector<16xi32>,
    %gather3A_48 = tpu.vector_load_idx %arg6[%get3A_47] : memref<10240xf32, #tpu.memory_space<vmem>>[vector<16xi32>], vector<16xf32>,
    %add3A_49 = arith.addf %broadcast_in_dim3A_43, %gather3A_48 : vector<16xf32>
    %get3A_50 = arith.constant 1 : i32
    %get3A_51 = arith.index_cast %get3A_50 : i32 to index
    %get3A_52 = arith.constant 16 : index
    %get3A_53 = tpu.vector_load %arg7[%get3A_51, %get3A_52] {strides = array<i32>} : memref<4x256xi32, #tpu.memory_space<vmem>>, vector<16xi32>,
    %gather3A_54 = tpu.vector_load_idx %arg6[%get3A_53] : memref<10240xf32, #tpu.memory_space<vmem>>[vector<16xi32>], vector<16xf32>,
    %add3A_55 = arith.addf %add3A_49, %gather3A_54 : vector<16xf32>
    %get3A_56 = arith.constant 2 : i32
    %get3A_57 = arith.index_cast %get3A_56 : i32 to index
    %get3A_58 = arith.constant 16 : index
    %get3A_59 = tpu.vector_load %arg7[%get3A_57, %get3A_58] {strides = array<i32>} : memref<4x256xi32, #tpu.memory_space<vmem>>, vector<16xi32>,
    %gather3A_60 = tpu.vector_load_idx %arg6[%get3A_59] : memref<10240xf32, #tpu.memory_space<vmem>>[vector<16xi32>], vector<16xf32>,
    %add3A_61 = arith.addf %add3A_55, %gather3A_60 : vector<16xf32>
    %get3A_62 = arith.constant 3 : i32
    %get3A_63 = arith.index_cast %get3A_62 : i32 to index
    %get3A_64 = arith.constant 16 : index
    %get3A_65 = tpu.vector_load %arg7[%get3A_63, %get3A_64] {strides = array<i32>} : memref<4x256xi32, #tpu.memory_space<vmem>>, vector<16xi32>,
    %gather3A_66 = tpu.vector_load_idx %arg6[%get3A_65] : memref<10240xf32, #tpu.memory_space<vmem>>[vector<16xi32>], vector<16xf32>,
    %add3A_67 = arith.addf %add3A_61, %gather3A_66 : vector<16xf32>
    %mul3A_68 = arith.constant 2.500000e-01 : f32
    %mul3A_69 = vector.broadcast %mul3A_68 : f32 to vector<16xf32>
    %mul3A_70 = arith.mulf %add3A_67, %mul3A_69 : vector<16xf32>
    %swap3A_71 = arith.constant 16 : index
    %swap3A_72 = tpu.vector_load %arg9[%swap3A_71] {strides = array<i32>} : memref<256xf32, #tpu.memory_space<vmem>>, vector<16xf32>,
    tpu.vector_store %arg9[%swap3A_71], %mul3A_70 {strides = array<i32>} : memref<256xf32, #tpu.memory_space<vmem>>, vector<16xf32>,
    %broadcast_in_dim3A_73 = arith.constant 0.000000e+00 : f32
    %broadcast_in_dim3A_74 = vector.broadcast %broadcast_in_dim3A_73 : f32 to vector<16xf32>
    %get3A_75 = arith.constant 0 : i32
    %get3A_76 = arith.index_cast %get3A_75 : i32 to index
    %get3A_77 = arith.constant 32 : index
    %get3A_78 = tpu.vector_load %arg7[%get3A_76, %get3A_77] {strides = array<i32>} : memref<4x256xi32, #tpu.memory_space<vmem>>, vector<16xi32>,
    %gather3A_79 = tpu.vector_load_idx %arg6[%get3A_78] : memref<10240xf32, #tpu.memory_space<vmem>>[vector<16xi32>], vector<16xf32>,
    %add3A_80 = arith.addf %broadcast_in_dim3A_74, %gather3A_79 : vector<16xf32>
    %get3A_81 = arith.constant 1 : i32
    %get3A_82 = arith.index_cast %get3A_81 : i32 to index
    %get3A_83 = arith.constant 32 : index
    %get3A_84 = tpu.vector_load %arg7[%get3A_82, %get3A_83] {strides = array<i32>} : memref<4x256xi32, #tpu.memory_space<vmem>>, vector<16xi32>,
    %gather3A_85 = tpu.vector_load_idx %arg6[%get3A_84] : memref<10240xf32, #tpu.memory_space<vmem>>[vector<16xi32>], vector<16xf32>,
    %add3A_86 = arith.addf %add3A_80, %gather3A_85 : vector<16xf32>
    %get3A_87 = arith.constant 2 : i32
    %get3A_88 = arith.index_cast %get3A_87 : i32 to index
    %get3A_89 = arith.constant 32 : index
    %get3A_90 = tpu.vector_load %arg7[%get3A_88, %get3A_89] {strides = array<i32>} : memref<4x256xi32, #tpu.memory_space<vmem>>, vector<16xi32>,
    %gather3A_91 = tpu.vector_load_idx %arg6[%get3A_90] : memref<10240xf32, #tpu.memory_space<vmem>>[vector<16xi32>], vector<16xf32>,
    %add3A_92 = arith.addf %add3A_86, %gather3A_91 : vector<16xf32>
    %get3A_93 = arith.constant 3 : i32
    %get3A_94 = arith.index_cast %get3A_93 : i32 to index
    %get3A_95 = arith.constant 32 : index
    %get3A_96 = tpu.vector_load %arg7[%get3A_94, %get3A_95] {strides = array<i32>} : memref<4x256xi32, #tpu.memory_space<vmem>>, vector<16xi32>,
    %gather3A_97 = tpu.vector_load_idx %arg6[%get3A_96] : memref<10240xf32, #tpu.memory_space<vmem>>[vector<16xi32>], vector<16xf32>,
    %add3A_98 = arith.addf %add3A_92, %gather3A_97 : vector<16xf32>
    %mul3A_99 = arith.constant 2.500000e-01 : f32
    %mul3A_100 = vector.broadcast %mul3A_99 : f32 to vector<16xf32>
    %mul3A_101 = arith.mulf %add3A_98, %mul3A_100 : vector<16xf32>
    %swap3A_102 = arith.constant 32 : index
    %swap3A_103 = tpu.vector_load %arg9[%swap3A_102] {strides = array<i32>} : memref<256xf32, #tpu.memory_space<vmem>>, vector<16xf32>,
    tpu.vector_store %arg9[%swap3A_102], %mul3A_101 {strides = array<i32>} : memref<256xf32, #tpu.memory_space<vmem>>, vector<16xf32>,
    %broadcast_in_dim3A_104 = arith.constant 0.000000e+00 : f32
    %broadcast_in_dim3A_105 = vector.broadcast %broadcast_in_dim3A_104 : f32 to vector<16xf32>
    %get3A_106 = arith.constant 0 : i32
    %get3A_107 = arith.index_cast %get3A_106 : i32 to index
    %get3A_108 = arith.constant 48 : index
    %get3A_109 = tpu.vector_load %arg7[%get3A_107, %get3A_108] {strides = array<i32>} : memref<4x256xi32, #tpu.memory_space<vmem>>, vector<16xi32>,
    %gather3A_110 = tpu.vector_load_idx %arg6[%get3A_109] : memref<10240xf32, #tpu.memory_space<vmem>>[vector<16xi32>], vector<16xf32>,
    %add3A_111 = arith.addf %broadcast_in_dim3A_105, %gather3A_110 : vector<16xf32>
    %get3A_112 = arith.constant 1 : i32
    %get3A_113 = arith.index_cast %get3A_112 : i32 to index
    %get3A_114 = arith.constant 48 : index
    %get3A_115 = tpu.vector_load %arg7[%get3A_113, %get3A_114] {strides = array<i32>} : memref<4x256xi32, #tpu.memory_space<vmem>>, vector<16xi32>,
    %gather3A_116 = tpu.vector_load_idx %arg6[%get3A_115] : memref<10240xf32, #tpu.memory_space<vmem>>[vector<16xi32>], vector<16xf32>,
    %add3A_117 = arith.addf %add3A_111, %gather3A_116 : vector<16xf32>
    %get3A_118 = arith.constant 2 : i32
    %get3A_119 = arith.index_cast %get3A_118 : i32 to index
    %get3A_120 = arith.constant 48 : index
    %get3A_121 = tpu.vector_load %arg7[%get3A_119, %get3A_120] {strides = array<i32>} : memref<4x256xi32, #tpu.memory_space<vmem>>, vector<16xi32>,
    %gather3A_122 = tpu.vector_load_idx %arg6[%get3A_121] : memref<10240xf32, #tpu.memory_space<vmem>>[vector<16xi32>], vector<16xf32>,
    %add3A_123 = arith.addf %add3A_117, %gather3A_122 : vector<16xf32>
    %get3A_124 = arith.constant 3 : i32
    %get3A_125 = arith.index_cast %get3A_124 : i32 to index
    %get3A_126 = arith.constant 48 : index
    %get3A_127 = tpu.vector_load %arg7[%get3A_125, %get3A_126] {strides = array<i32>} : memref<4x256xi32, #tpu.memory_space<vmem>>, vector<16xi32>,
    %gather3A_128 = tpu.vector_load_idx %arg6[%get3A_127] : memref<10240xf32, #tpu.memory_space<vmem>>[vector<16xi32>], vector<16xf32>,
    %add3A_129 = arith.addf %add3A_123, %gather3A_128 : vector<16xf32>
    %mul3A_130 = arith.constant 2.500000e-01 : f32
    %mul3A_131 = vector.broadcast %mul3A_130 : f32 to vector<16xf32>
    %mul3A_132 = arith.mulf %add3A_129, %mul3A_131 : vector<16xf32>
    %swap3A_133 = arith.constant 48 : index
    %swap3A_134 = tpu.vector_load %arg9[%swap3A_133] {strides = array<i32>} : memref<256xf32, #tpu.memory_space<vmem>>, vector<16xf32>,
    tpu.vector_store %arg9[%swap3A_133], %mul3A_132 {strides = array<i32>} : memref<256xf32, #tpu.memory_space<vmem>>, vector<16xf32>,
    %broadcast_in_dim3A_135 = arith.constant 0.000000e+00 : f32
    %broadcast_in_dim3A_136 = vector.broadcast %broadcast_in_dim3A_135 : f32 to vector<16xf32>
    %get3A_137 = arith.constant 0 : i32
    %get3A_138 = arith.index_cast %get3A_137 : i32 to index
    %get3A_139 = arith.constant 64 : index
    %get3A_140 = tpu.vector_load %arg7[%get3A_138, %get3A_139] {strides = array<i32>} : memref<4x256xi32, #tpu.memory_space<vmem>>, vector<16xi32>,
    %gather3A_141 = tpu.vector_load_idx %arg6[%get3A_140] : memref<10240xf32, #tpu.memory_space<vmem>>[vector<16xi32>], vector<16xf32>,
    %add3A_142 = arith.addf %broadcast_in_dim3A_136, %gather3A_141 : vector<16xf32>
    %get3A_143 = arith.constant 1 : i32
    %get3A_144 = arith.index_cast %get3A_143 : i32 to index
    %get3A_145 = arith.constant 64 : index
    %get3A_146 = tpu.vector_load %arg7[%get3A_144, %get3A_145] {strides = array<i32>} : memref<4x256xi32, #tpu.memory_space<vmem>>, vector<16xi32>,
    %gather3A_147 = tpu.vector_load_idx %arg6[%get3A_146] : memref<10240xf32, #tpu.memory_space<vmem>>[vector<16xi32>], vector<16xf32>,
    %add3A_148 = arith.addf %add3A_142, %gather3A_147 : vector<16xf32>
    %get3A_149 = arith.constant 2 : i32
    %get3A_150 = arith.index_cast %get3A_149 : i32 to index
    %get3A_151 = arith.constant 64 : index
    %get3A_152 = tpu.vector_load %arg7[%get3A_150, %get3A_151] {strides = array<i32>} : memref<4x256xi32, #tpu.memory_space<vmem>>, vector<16xi32>,
    %gather3A_153 = tpu.vector_load_idx %arg6[%get3A_152] : memref<10240xf32, #tpu.memory_space<vmem>>[vector<16xi32>], vector<16xf32>,
    %add3A_154 = arith.addf %add3A_148, %gather3A_153 : vector<16xf32>
    %get3A_155 = arith.constant 3 : i32
    %get3A_156 = arith.index_cast %get3A_155 : i32 to index
    %get3A_157 = arith.constant 64 : index
    %get3A_158 = tpu.vector_load %arg7[%get3A_156, %get3A_157] {strides = array<i32>} : memref<4x256xi32, #tpu.memory_space<vmem>>, vector<16xi32>,
    %gather3A_159 = tpu.vector_load_idx %arg6[%get3A_158] : memref<10240xf32, #tpu.memory_space<vmem>>[vector<16xi32>], vector<16xf32>,
    %add3A_160 = arith.addf %add3A_154, %gather3A_159 : vector<16xf32>
    %mul3A_161 = arith.constant 2.500000e-01 : f32
    %mul3A_162 = vector.broadcast %mul3A_161 : f32 to vector<16xf32>
    %mul3A_163 = arith.mulf %add3A_160, %mul3A_162 : vector<16xf32>
    %swap3A_164 = arith.constant 64 : index
    %swap3A_165 = tpu.vector_load %arg9[%swap3A_164] {strides = array<i32>} : memref<256xf32, #tpu.memory_space<vmem>>, vector<16xf32>,
    tpu.vector_store %arg9[%swap3A_164], %mul3A_163 {strides = array<i32>} : memref<256xf32, #tpu.memory_space<vmem>>, vector<16xf32>,
    %broadcast_in_dim3A_166 = arith.constant 0.000000e+00 : f32
    %broadcast_in_dim3A_167 = vector.broadcast %broadcast_in_dim3A_166 : f32 to vector<16xf32>
    %get3A_168 = arith.constant 0 : i32
    %get3A_169 = arith.index_cast %get3A_168 : i32 to index
    %get3A_170 = arith.constant 80 : index
    %get3A_171 = tpu.vector_load %arg7[%get3A_169, %get3A_170] {strides = array<i32>} : memref<4x256xi32, #tpu.memory_space<vmem>>, vector<16xi32>,
    %gather3A_172 = tpu.vector_load_idx %arg6[%get3A_171] : memref<10240xf32, #tpu.memory_space<vmem>>[vector<16xi32>], vector<16xf32>,
    %add3A_173 = arith.addf %broadcast_in_dim3A_167, %gather3A_172 : vector<16xf32>
    %get3A_174 = arith.constant 1 : i32
    %get3A_175 = arith.index_cast %get3A_174 : i32 to index
    %get3A_176 = arith.constant 80 : index
    %get3A_177 = tpu.vector_load %arg7[%get3A_175, %get3A_176] {strides = array<i32>} : memref<4x256xi32, #tpu.memory_space<vmem>>, vector<16xi32>,
    %gather3A_178 = tpu.vector_load_idx %arg6[%get3A_177] : memref<10240xf32, #tpu.memory_space<vmem>>[vector<16xi32>], vector<16xf32>,
    %add3A_179 = arith.addf %add3A_173, %gather3A_178 : vector<16xf32>
    %get3A_180 = arith.constant 2 : i32
    %get3A_181 = arith.index_cast %get3A_180 : i32 to index
    %get3A_182 = arith.constant 80 : index
    %get3A_183 = tpu.vector_load %arg7[%get3A_181, %get3A_182] {strides = array<i32>} : memref<4x256xi32, #tpu.memory_space<vmem>>, vector<16xi32>,
    %gather3A_184 = tpu.vector_load_idx %arg6[%get3A_183] : memref<10240xf32, #tpu.memory_space<vmem>>[vector<16xi32>], vector<16xf32>,
    %add3A_185 = arith.addf %add3A_179, %gather3A_184 : vector<16xf32>
    %get3A_186 = arith.constant 3 : i32
    %get3A_187 = arith.index_cast %get3A_186 : i32 to index
    %get3A_188 = arith.constant 80 : index
    %get3A_189 = tpu.vector_load %arg7[%get3A_187, %get3A_188] {strides = array<i32>} : memref<4x256xi32, #tpu.memory_space<vmem>>, vector<16xi32>,
    %gather3A_190 = tpu.vector_load_idx %arg6[%get3A_189] : memref<10240xf32, #tpu.memory_space<vmem>>[vector<16xi32>], vector<16xf32>,
    %add3A_191 = arith.addf %add3A_185, %gather3A_190 : vector<16xf32>
    %mul3A_192 = arith.constant 2.500000e-01 : f32
    %mul3A_193 = vector.broadcast %mul3A_192 : f32 to vector<16xf32>
    %mul3A_194 = arith.mulf %add3A_191, %mul3A_193 : vector<16xf32>
    %swap3A_195 = arith.constant 80 : index
    %swap3A_196 = tpu.vector_load %arg9[%swap3A_195] {strides = array<i32>} : memref<256xf32, #tpu.memory_space<vmem>>, vector<16xf32>,
    tpu.vector_store %arg9[%swap3A_195], %mul3A_194 {strides = array<i32>} : memref<256xf32, #tpu.memory_space<vmem>>, vector<16xf32>,
    %broadcast_in_dim3A_197 = arith.constant 0.000000e+00 : f32
    %broadcast_in_dim3A_198 = vector.broadcast %broadcast_in_dim3A_197 : f32 to vector<16xf32>
    %get3A_199 = arith.constant 0 : i32
    %get3A_200 = arith.index_cast %get3A_199 : i32 to index
    %get3A_201 = arith.constant 96 : index
    %get3A_202 = tpu.vector_load %arg7[%get3A_200, %get3A_201] {strides = array<i32>} : memref<4x256xi32, #tpu.memory_space<vmem>>, vector<16xi32>,
    %gather3A_203 = tpu.vector_load_idx %arg6[%get3A_202] : memref<10240xf32, #tpu.memory_space<vmem>>[vector<16xi32>], vector<16xf32>,
    %add3A_204 = arith.addf %broadcast_in_dim3A_198, %gather3A_203 : vector<16xf32>
    %get3A_205 = arith.constant 1 : i32
    %get3A_206 = arith.index_cast %get3A_205 : i32 to index
    %get3A_207 = arith.constant 96 : index
    %get3A_208 = tpu.vector_load %arg7[%get3A_206, %get3A_207] {strides = array<i32>} : memref<4x256xi32, #tpu.memory_space<vmem>>, vector<16xi32>,
    %gather3A_209 = tpu.vector_load_idx %arg6[%get3A_208] : memref<10240xf32, #tpu.memory_space<vmem>>[vector<16xi32>], vector<16xf32>,
    %add3A_210 = arith.addf %add3A_204, %gather3A_209 : vector<16xf32>
    %get3A_211 = arith.constant 2 : i32
    %get3A_212 = arith.index_cast %get3A_211 : i32 to index
    %get3A_213 = arith.constant 96 : index
    %get3A_214 = tpu.vector_load %arg7[%get3A_212, %get3A_213] {strides = array<i32>} : memref<4x256xi32, #tpu.memory_space<vmem>>, vector<16xi32>,
    %gather3A_215 = tpu.vector_load_idx %arg6[%get3A_214] : memref<10240xf32, #tpu.memory_space<vmem>>[vector<16xi32>], vector<16xf32>,
    %add3A_216 = arith.addf %add3A_210, %gather3A_215 : vector<16xf32>
    %get3A_217 = arith.constant 3 : i32
    %get3A_218 = arith.index_cast %get3A_217 : i32 to index
    %get3A_219 = arith.constant 96 : index
    %get3A_220 = tpu.vector_load %arg7[%get3A_218, %get3A_219] {strides = array<i32>} : memref<4x256xi32, #tpu.memory_space<vmem>>, vector<16xi32>,
    %gather3A_221 = tpu.vector_load_idx %arg6[%get3A_220] : memref<10240xf32, #tpu.memory_space<vmem>>[vector<16xi32>], vector<16xf32>,
    %add3A_222 = arith.addf %add3A_216, %gather3A_221 : vector<16xf32>
    %mul3A_223 = arith.constant 2.500000e-01 : f32
    %mul3A_224 = vector.broadcast %mul3A_223 : f32 to vector<16xf32>
    %mul3A_225 = arith.mulf %add3A_222, %mul3A_224 : vector<16xf32>
    %swap3A_226 = arith.constant 96 : index
    %swap3A_227 = tpu.vector_load %arg9[%swap3A_226] {strides = array<i32>} : memref<256xf32, #tpu.memory_space<vmem>>, vector<16xf32>,
    tpu.vector_store %arg9[%swap3A_226], %mul3A_225 {strides = array<i32>} : memref<256xf32, #tpu.memory_space<vmem>>, vector<16xf32>,
    %broadcast_in_dim3A_228 = arith.constant 0.000000e+00 : f32
    %broadcast_in_dim3A_229 = vector.broadcast %broadcast_in_dim3A_228 : f32 to vector<16xf32>
    %get3A_230 = arith.constant 0 : i32
    %get3A_231 = arith.index_cast %get3A_230 : i32 to index
    %get3A_232 = arith.constant 112 : index
    %get3A_233 = tpu.vector_load %arg7[%get3A_231, %get3A_232] {strides = array<i32>} : memref<4x256xi32, #tpu.memory_space<vmem>>, vector<16xi32>,
    %gather3A_234 = tpu.vector_load_idx %arg6[%get3A_233] : memref<10240xf32, #tpu.memory_space<vmem>>[vector<16xi32>], vector<16xf32>,
    %add3A_235 = arith.addf %broadcast_in_dim3A_229, %gather3A_234 : vector<16xf32>
    %get3A_236 = arith.constant 1 : i32
    %get3A_237 = arith.index_cast %get3A_236 : i32 to index
    %get3A_238 = arith.constant 112 : index
    %get3A_239 = tpu.vector_load %arg7[%get3A_237, %get3A_238] {strides = array<i32>} : memref<4x256xi32, #tpu.memory_space<vmem>>, vector<16xi32>,
    %gather3A_240 = tpu.vector_load_idx %arg6[%get3A_239] : memref<10240xf32, #tpu.memory_space<vmem>>[vector<16xi32>], vector<16xf32>,
    %add3A_241 = arith.addf %add3A_235, %gather3A_240 : vector<16xf32>
    %get3A_242 = arith.constant 2 : i32
    %get3A_243 = arith.index_cast %get3A_242 : i32 to index
    %get3A_244 = arith.constant 112 : index
    %get3A_245 = tpu.vector_load %arg7[%get3A_243, %get3A_244] {strides = array<i32>} : memref<4x256xi32, #tpu.memory_space<vmem>>, vector<16xi32>,
    %gather3A_246 = tpu.vector_load_idx %arg6[%get3A_245] : memref<10240xf32, #tpu.memory_space<vmem>>[vector<16xi32>], vector<16xf32>,
    %add3A_247 = arith.addf %add3A_241, %gather3A_246 : vector<16xf32>
    %get3A_248 = arith.constant 3 : i32
    %get3A_249 = arith.index_cast %get3A_248 : i32 to index
    %get3A_250 = arith.constant 112 : index
    %get3A_251 = tpu.vector_load %arg7[%get3A_249, %get3A_250] {strides = array<i32>} : memref<4x256xi32, #tpu.memory_space<vmem>>, vector<16xi32>,
    %gather3A_252 = tpu.vector_load_idx %arg6[%get3A_251] : memref<10240xf32, #tpu.memory_space<vmem>>[vector<16xi32>], vector<16xf32>,
    %add3A_253 = arith.addf %add3A_247, %gather3A_252 : vector<16xf32>
    %mul3A_254 = arith.constant 2.500000e-01 : f32
    %mul3A_255 = vector.broadcast %mul3A_254 : f32 to vector<16xf32>
    %mul3A_256 = arith.mulf %add3A_253, %mul3A_255 : vector<16xf32>
    %swap3A_257 = arith.constant 112 : index
    %swap3A_258 = tpu.vector_load %arg9[%swap3A_257] {strides = array<i32>} : memref<256xf32, #tpu.memory_space<vmem>>, vector<16xf32>,
    tpu.vector_store %arg9[%swap3A_257], %mul3A_256 {strides = array<i32>} : memref<256xf32, #tpu.memory_space<vmem>>, vector<16xf32>,
    %broadcast_in_dim3A_259 = arith.constant 0.000000e+00 : f32
    %broadcast_in_dim3A_260 = vector.broadcast %broadcast_in_dim3A_259 : f32 to vector<16xf32>
    %get3A_261 = arith.constant 0 : i32
    %get3A_262 = arith.index_cast %get3A_261 : i32 to index
    %get3A_263 = arith.constant 128 : index
    %get3A_264 = tpu.vector_load %arg7[%get3A_262, %get3A_263] {strides = array<i32>} : memref<4x256xi32, #tpu.memory_space<vmem>>, vector<16xi32>,
    %gather3A_265 = tpu.vector_load_idx %arg6[%get3A_264] : memref<10240xf32, #tpu.memory_space<vmem>>[vector<16xi32>], vector<16xf32>,
    %add3A_266 = arith.addf %broadcast_in_dim3A_260, %gather3A_265 : vector<16xf32>
    %get3A_267 = arith.constant 1 : i32
    %get3A_268 = arith.index_cast %get3A_267 : i32 to index
    %get3A_269 = arith.constant 128 : index
    %get3A_270 = tpu.vector_load %arg7[%get3A_268, %get3A_269] {strides = array<i32>} : memref<4x256xi32, #tpu.memory_space<vmem>>, vector<16xi32>,
    %gather3A_271 = tpu.vector_load_idx %arg6[%get3A_270] : memref<10240xf32, #tpu.memory_space<vmem>>[vector<16xi32>], vector<16xf32>,
    %add3A_272 = arith.addf %add3A_266, %gather3A_271 : vector<16xf32>
    %get3A_273 = arith.constant 2 : i32
    %get3A_274 = arith.index_cast %get3A_273 : i32 to index
    %get3A_275 = arith.constant 128 : index
    %get3A_276 = tpu.vector_load %arg7[%get3A_274, %get3A_275] {strides = array<i32>} : memref<4x256xi32, #tpu.memory_space<vmem>>, vector<16xi32>,
    %gather3A_277 = tpu.vector_load_idx %arg6[%get3A_276] : memref<10240xf32, #tpu.memory_space<vmem>>[vector<16xi32>], vector<16xf32>,
    %add3A_278 = arith.addf %add3A_272, %gather3A_277 : vector<16xf32>
    %get3A_279 = arith.constant 3 : i32
    %get3A_280 = arith.index_cast %get3A_279 : i32 to index
    %get3A_281 = arith.constant 128 : index
    %get3A_282 = tpu.vector_load %arg7[%get3A_280, %get3A_281] {strides = array<i32>} : memref<4x256xi32, #tpu.memory_space<vmem>>, vector<16xi32>,
    %gather3A_283 = tpu.vector_load_idx %arg6[%get3A_282] : memref<10240xf32, #tpu.memory_space<vmem>>[vector<16xi32>], vector<16xf32>,
    %add3A_284 = arith.addf %add3A_278, %gather3A_283 : vector<16xf32>
    %mul3A_285 = arith.constant 2.500000e-01 : f32
    %mul3A_286 = vector.broadcast %mul3A_285 : f32 to vector<16xf32>
    %mul3A_287 = arith.mulf %add3A_284, %mul3A_286 : vector<16xf32>
    %swap3A_288 = arith.constant 128 : index
    %swap3A_289 = tpu.vector_load %arg9[%swap3A_288] {strides = array<i32>} : memref<256xf32, #tpu.memory_space<vmem>>, vector<16xf32>,
    tpu.vector_store %arg9[%swap3A_288], %mul3A_287 {strides = array<i32>} : memref<256xf32, #tpu.memory_space<vmem>>, vector<16xf32>,
    %broadcast_in_dim3A_290 = arith.constant 0.000000e+00 : f32
    %broadcast_in_dim3A_291 = vector.broadcast %broadcast_in_dim3A_290 : f32 to vector<16xf32>
    %get3A_292 = arith.constant 0 : i32
    %get3A_293 = arith.index_cast %get3A_292 : i32 to index
    %get3A_294 = arith.constant 144 : index
    %get3A_295 = tpu.vector_load %arg7[%get3A_293, %get3A_294] {strides = array<i32>} : memref<4x256xi32, #tpu.memory_space<vmem>>, vector<16xi32>,
    %gather3A_296 = tpu.vector_load_idx %arg6[%get3A_295] : memref<10240xf32, #tpu.memory_space<vmem>>[vector<16xi32>], vector<16xf32>,
    %add3A_297 = arith.addf %broadcast_in_dim3A_291, %gather3A_296 : vector<16xf32>
    %get3A_298 = arith.constant 1 : i32
    %get3A_299 = arith.index_cast %get3A_298 : i32 to index
    %get3A_300 = arith.constant 144 : index
    %get3A_301 = tpu.vector_load %arg7[%get3A_299, %get3A_300] {strides = array<i32>} : memref<4x256xi32, #tpu.memory_space<vmem>>, vector<16xi32>,
    %gather3A_302 = tpu.vector_load_idx %arg6[%get3A_301] : memref<10240xf32, #tpu.memory_space<vmem>>[vector<16xi32>], vector<16xf32>,
    %add3A_303 = arith.addf %add3A_297, %gather3A_302 : vector<16xf32>
    %get3A_304 = arith.constant 2 : i32
    %get3A_305 = arith.index_cast %get3A_304 : i32 to index
    %get3A_306 = arith.constant 144 : index
    %get3A_307 = tpu.vector_load %arg7[%get3A_305, %get3A_306] {strides = array<i32>} : memref<4x256xi32, #tpu.memory_space<vmem>>, vector<16xi32>,
    %gather3A_308 = tpu.vector_load_idx %arg6[%get3A_307] : memref<10240xf32, #tpu.memory_space<vmem>>[vector<16xi32>], vector<16xf32>,
    %add3A_309 = arith.addf %add3A_303, %gather3A_308 : vector<16xf32>
    %get3A_310 = arith.constant 3 : i32
    %get3A_311 = arith.index_cast %get3A_310 : i32 to index
    %get3A_312 = arith.constant 144 : index
    %get3A_313 = tpu.vector_load %arg7[%get3A_311, %get3A_312] {strides = array<i32>} : memref<4x256xi32, #tpu.memory_space<vmem>>, vector<16xi32>,
    %gather3A_314 = tpu.vector_load_idx %arg6[%get3A_313] : memref<10240xf32, #tpu.memory_space<vmem>>[vector<16xi32>], vector<16xf32>,
    %add3A_315 = arith.addf %add3A_309, %gather3A_314 : vector<16xf32>
    %mul3A_316 = arith.constant 2.500000e-01 : f32
    %mul3A_317 = vector.broadcast %mul3A_316 : f32 to vector<16xf32>
    %mul3A_318 = arith.mulf %add3A_315, %mul3A_317 : vector<16xf32>
    %swap3A_319 = arith.constant 144 : index
    %swap3A_320 = tpu.vector_load %arg9[%swap3A_319] {strides = array<i32>} : memref<256xf32, #tpu.memory_space<vmem>>, vector<16xf32>,
    tpu.vector_store %arg9[%swap3A_319], %mul3A_318 {strides = array<i32>} : memref<256xf32, #tpu.memory_space<vmem>>, vector<16xf32>,
    %broadcast_in_dim3A_321 = arith.constant 0.000000e+00 : f32
    %broadcast_in_dim3A_322 = vector.broadcast %broadcast_in_dim3A_321 : f32 to vector<16xf32>
    %get3A_323 = arith.constant 0 : i32
    %get3A_324 = arith.index_cast %get3A_323 : i32 to index
    %get3A_325 = arith.constant 160 : index
    %get3A_326 = tpu.vector_load %arg7[%get3A_324, %get3A_325] {strides = array<i32>} : memref<4x256xi32, #tpu.memory_space<vmem>>, vector<16xi32>,
    %gather3A_327 = tpu.vector_load_idx %arg6[%get3A_326] : memref<10240xf32, #tpu.memory_space<vmem>>[vector<16xi32>], vector<16xf32>,
    %add3A_328 = arith.addf %broadcast_in_dim3A_322, %gather3A_327 : vector<16xf32>
    %get3A_329 = arith.constant 1 : i32
    %get3A_330 = arith.index_cast %get3A_329 : i32 to index
    %get3A_331 = arith.constant 160 : index
    %get3A_332 = tpu.vector_load %arg7[%get3A_330, %get3A_331] {strides = array<i32>} : memref<4x256xi32, #tpu.memory_space<vmem>>, vector<16xi32>,
    %gather3A_333 = tpu.vector_load_idx %arg6[%get3A_332] : memref<10240xf32, #tpu.memory_space<vmem>>[vector<16xi32>], vector<16xf32>,
    %add3A_334 = arith.addf %add3A_328, %gather3A_333 : vector<16xf32>
    %get3A_335 = arith.constant 2 : i32
    %get3A_336 = arith.index_cast %get3A_335 : i32 to index
    %get3A_337 = arith.constant 160 : index
    %get3A_338 = tpu.vector_load %arg7[%get3A_336, %get3A_337] {strides = array<i32>} : memref<4x256xi32, #tpu.memory_space<vmem>>, vector<16xi32>,
    %gather3A_339 = tpu.vector_load_idx %arg6[%get3A_338] : memref<10240xf32, #tpu.memory_space<vmem>>[vector<16xi32>], vector<16xf32>,
    %add3A_340 = arith.addf %add3A_334, %gather3A_339 : vector<16xf32>
    %get3A_341 = arith.constant 3 : i32
    %get3A_342 = arith.index_cast %get3A_341 : i32 to index
    %get3A_343 = arith.constant 160 : index
    %get3A_344 = tpu.vector_load %arg7[%get3A_342, %get3A_343] {strides = array<i32>} : memref<4x256xi32, #tpu.memory_space<vmem>>, vector<16xi32>,
    %gather3A_345 = tpu.vector_load_idx %arg6[%get3A_344] : memref<10240xf32, #tpu.memory_space<vmem>>[vector<16xi32>], vector<16xf32>,
    %add3A_346 = arith.addf %add3A_340, %gather3A_345 : vector<16xf32>
    %mul3A_347 = arith.constant 2.500000e-01 : f32
    %mul3A_348 = vector.broadcast %mul3A_347 : f32 to vector<16xf32>
    %mul3A_349 = arith.mulf %add3A_346, %mul3A_348 : vector<16xf32>
    %swap3A_350 = arith.constant 160 : index
    %swap3A_351 = tpu.vector_load %arg9[%swap3A_350] {strides = array<i32>} : memref<256xf32, #tpu.memory_space<vmem>>, vector<16xf32>,
    tpu.vector_store %arg9[%swap3A_350], %mul3A_349 {strides = array<i32>} : memref<256xf32, #tpu.memory_space<vmem>>, vector<16xf32>,
    %broadcast_in_dim3A_352 = arith.constant 0.000000e+00 : f32
    %broadcast_in_dim3A_353 = vector.broadcast %broadcast_in_dim3A_352 : f32 to vector<16xf32>
    %get3A_354 = arith.constant 0 : i32
    %get3A_355 = arith.index_cast %get3A_354 : i32 to index
    %get3A_356 = arith.constant 176 : index
    %get3A_357 = tpu.vector_load %arg7[%get3A_355, %get3A_356] {strides = array<i32>} : memref<4x256xi32, #tpu.memory_space<vmem>>, vector<16xi32>,
    %gather3A_358 = tpu.vector_load_idx %arg6[%get3A_357] : memref<10240xf32, #tpu.memory_space<vmem>>[vector<16xi32>], vector<16xf32>,
    %add3A_359 = arith.addf %broadcast_in_dim3A_353, %gather3A_358 : vector<16xf32>
    %get3A_360 = arith.constant 1 : i32
    %get3A_361 = arith.index_cast %get3A_360 : i32 to index
    %get3A_362 = arith.constant 176 : index
    %get3A_363 = tpu.vector_load %arg7[%get3A_361, %get3A_362] {strides = array<i32>} : memref<4x256xi32, #tpu.memory_space<vmem>>, vector<16xi32>,
    %gather3A_364 = tpu.vector_load_idx %arg6[%get3A_363] : memref<10240xf32, #tpu.memory_space<vmem>>[vector<16xi32>], vector<16xf32>,
    %add3A_365 = arith.addf %add3A_359, %gather3A_364 : vector<16xf32>
    %get3A_366 = arith.constant 2 : i32
    %get3A_367 = arith.index_cast %get3A_366 : i32 to index
    %get3A_368 = arith.constant 176 : index
    %get3A_369 = tpu.vector_load %arg7[%get3A_367, %get3A_368] {strides = array<i32>} : memref<4x256xi32, #tpu.memory_space<vmem>>, vector<16xi32>,
    %gather3A_370 = tpu.vector_load_idx %arg6[%get3A_369] : memref<10240xf32, #tpu.memory_space<vmem>>[vector<16xi32>], vector<16xf32>,
    %add3A_371 = arith.addf %add3A_365, %gather3A_370 : vector<16xf32>
    %get3A_372 = arith.constant 3 : i32
    %get3A_373 = arith.index_cast %get3A_372 : i32 to index
    %get3A_374 = arith.constant 176 : index
    %get3A_375 = tpu.vector_load %arg7[%get3A_373, %get3A_374] {strides = array<i32>} : memref<4x256xi32, #tpu.memory_space<vmem>>, vector<16xi32>,
    %gather3A_376 = tpu.vector_load_idx %arg6[%get3A_375] : memref<10240xf32, #tpu.memory_space<vmem>>[vector<16xi32>], vector<16xf32>,
    %add3A_377 = arith.addf %add3A_371, %gather3A_376 : vector<16xf32>
    %mul3A_378 = arith.constant 2.500000e-01 : f32
    %mul3A_379 = vector.broadcast %mul3A_378 : f32 to vector<16xf32>
    %mul3A_380 = arith.mulf %add3A_377, %mul3A_379 : vector<16xf32>
    %swap3A_381 = arith.constant 176 : index
    %swap3A_382 = tpu.vector_load %arg9[%swap3A_381] {strides = array<i32>} : memref<256xf32, #tpu.memory_space<vmem>>, vector<16xf32>,
    tpu.vector_store %arg9[%swap3A_381], %mul3A_380 {strides = array<i32>} : memref<256xf32, #tpu.memory_space<vmem>>, vector<16xf32>,
    %broadcast_in_dim3A_383 = arith.constant 0.000000e+00 : f32
    %broadcast_in_dim3A_384 = vector.broadcast %broadcast_in_dim3A_383 : f32 to vector<16xf32>
    %get3A_385 = arith.constant 0 : i32
    %get3A_386 = arith.index_cast %get3A_385 : i32 to index
    %get3A_387 = arith.constant 192 : index
    %get3A_388 = tpu.vector_load %arg7[%get3A_386, %get3A_387] {strides = array<i32>} : memref<4x256xi32, #tpu.memory_space<vmem>>, vector<16xi32>,
    %gather3A_389 = tpu.vector_load_idx %arg6[%get3A_388] : memref<10240xf32, #tpu.memory_space<vmem>>[vector<16xi32>], vector<16xf32>,
    %add3A_390 = arith.addf %broadcast_in_dim3A_384, %gather3A_389 : vector<16xf32>
    %get3A_391 = arith.constant 1 : i32
    %get3A_392 = arith.index_cast %get3A_391 : i32 to index
    %get3A_393 = arith.constant 192 : index
    %get3A_394 = tpu.vector_load %arg7[%get3A_392, %get3A_393] {strides = array<i32>} : memref<4x256xi32, #tpu.memory_space<vmem>>, vector<16xi32>,
    %gather3A_395 = tpu.vector_load_idx %arg6[%get3A_394] : memref<10240xf32, #tpu.memory_space<vmem>>[vector<16xi32>], vector<16xf32>,
    %add3A_396 = arith.addf %add3A_390, %gather3A_395 : vector<16xf32>
    %get3A_397 = arith.constant 2 : i32
    %get3A_398 = arith.index_cast %get3A_397 : i32 to index
    %get3A_399 = arith.constant 192 : index
    %get3A_400 = tpu.vector_load %arg7[%get3A_398, %get3A_399] {strides = array<i32>} : memref<4x256xi32, #tpu.memory_space<vmem>>, vector<16xi32>,
    %gather3A_401 = tpu.vector_load_idx %arg6[%get3A_400] : memref<10240xf32, #tpu.memory_space<vmem>>[vector<16xi32>], vector<16xf32>,
    %add3A_402 = arith.addf %add3A_396, %gather3A_401 : vector<16xf32>
    %get3A_403 = arith.constant 3 : i32
    %get3A_404 = arith.index_cast %get3A_403 : i32 to index
    %get3A_405 = arith.constant 192 : index
    %get3A_406 = tpu.vector_load %arg7[%get3A_404, %get3A_405] {strides = array<i32>} : memref<4x256xi32, #tpu.memory_space<vmem>>, vector<16xi32>,
    %gather3A_407 = tpu.vector_load_idx %arg6[%get3A_406] : memref<10240xf32, #tpu.memory_space<vmem>>[vector<16xi32>], vector<16xf32>,
    %add3A_408 = arith.addf %add3A_402, %gather3A_407 : vector<16xf32>
    %mul3A_409 = arith.constant 2.500000e-01 : f32
    %mul3A_410 = vector.broadcast %mul3A_409 : f32 to vector<16xf32>
    %mul3A_411 = arith.mulf %add3A_408, %mul3A_410 : vector<16xf32>
    %swap3A_412 = arith.constant 192 : index
    %swap3A_413 = tpu.vector_load %arg9[%swap3A_412] {strides = array<i32>} : memref<256xf32, #tpu.memory_space<vmem>>, vector<16xf32>,
    tpu.vector_store %arg9[%swap3A_412], %mul3A_411 {strides = array<i32>} : memref<256xf32, #tpu.memory_space<vmem>>, vector<16xf32>,
    %broadcast_in_dim3A_414 = arith.constant 0.000000e+00 : f32
    %broadcast_in_dim3A_415 = vector.broadcast %broadcast_in_dim3A_414 : f32 to vector<16xf32>
    %get3A_416 = arith.constant 0 : i32
    %get3A_417 = arith.index_cast %get3A_416 : i32 to index
    %get3A_418 = arith.constant 208 : index
    %get3A_419 = tpu.vector_load %arg7[%get3A_417, %get3A_418] {strides = array<i32>} : memref<4x256xi32, #tpu.memory_space<vmem>>, vector<16xi32>,
    %gather3A_420 = tpu.vector_load_idx %arg6[%get3A_419] : memref<10240xf32, #tpu.memory_space<vmem>>[vector<16xi32>], vector<16xf32>,
    %add3A_421 = arith.addf %broadcast_in_dim3A_415, %gather3A_420 : vector<16xf32>
    %get3A_422 = arith.constant 1 : i32
    %get3A_423 = arith.index_cast %get3A_422 : i32 to index
    %get3A_424 = arith.constant 208 : index
    %get3A_425 = tpu.vector_load %arg7[%get3A_423, %get3A_424] {strides = array<i32>} : memref<4x256xi32, #tpu.memory_space<vmem>>, vector<16xi32>,
    %gather3A_426 = tpu.vector_load_idx %arg6[%get3A_425] : memref<10240xf32, #tpu.memory_space<vmem>>[vector<16xi32>], vector<16xf32>,
    %add3A_427 = arith.addf %add3A_421, %gather3A_426 : vector<16xf32>
    %get3A_428 = arith.constant 2 : i32
    %get3A_429 = arith.index_cast %get3A_428 : i32 to index
    %get3A_430 = arith.constant 208 : index
    %get3A_431 = tpu.vector_load %arg7[%get3A_429, %get3A_430] {strides = array<i32>} : memref<4x256xi32, #tpu.memory_space<vmem>>, vector<16xi32>,
    %gather3A_432 = tpu.vector_load_idx %arg6[%get3A_431] : memref<10240xf32, #tpu.memory_space<vmem>>[vector<16xi32>], vector<16xf32>,
    %add3A_433 = arith.addf %add3A_427, %gather3A_432 : vector<16xf32>
    %get3A_434 = arith.constant 3 : i32
    %get3A_435 = arith.index_cast %get3A_434 : i32 to index
    %get3A_436 = arith.constant 208 : index
    %get3A_437 = tpu.vector_load %arg7[%get3A_435, %get3A_436] {strides = array<i32>} : memref<4x256xi32, #tpu.memory_space<vmem>>, vector<16xi32>,
    %gather3A_438 = tpu.vector_load_idx %arg6[%get3A_437] : memref<10240xf32, #tpu.memory_space<vmem>>[vector<16xi32>], vector<16xf32>,
    %add3A_439 = arith.addf %add3A_433, %gather3A_438 : vector<16xf32>
    %mul3A_440 = arith.constant 2.500000e-01 : f32
    %mul3A_441 = vector.broadcast %mul3A_440 : f32 to vector<16xf32>
    %mul3A_442 = arith.mulf %add3A_439, %mul3A_441 : vector<16xf32>
    %swap3A_443 = arith.constant 208 : index
    %swap3A_444 = tpu.vector_load %arg9[%swap3A_443] {strides = array<i32>} : memref<256xf32, #tpu.memory_space<vmem>>, vector<16xf32>,
    tpu.vector_store %arg9[%swap3A_443], %mul3A_442 {strides = array<i32>} : memref<256xf32, #tpu.memory_space<vmem>>, vector<16xf32>,
    %broadcast_in_dim3A_445 = arith.constant 0.000000e+00 : f32
    %broadcast_in_dim3A_446 = vector.broadcast %broadcast_in_dim3A_445 : f32 to vector<16xf32>
    %get3A_447 = arith.constant 0 : i32
    %get3A_448 = arith.index_cast %get3A_447 : i32 to index
    %get3A_449 = arith.constant 224 : index
    %get3A_450 = tpu.vector_load %arg7[%get3A_448, %get3A_449] {strides = array<i32>} : memref<4x256xi32, #tpu.memory_space<vmem>>, vector<16xi32>,
    %gather3A_451 = tpu.vector_load_idx %arg6[%get3A_450] : memref<10240xf32, #tpu.memory_space<vmem>>[vector<16xi32>], vector<16xf32>,
    %add3A_452 = arith.addf %broadcast_in_dim3A_446, %gather3A_451 : vector<16xf32>
    %get3A_453 = arith.constant 1 : i32
    %get3A_454 = arith.index_cast %get3A_453 : i32 to index
    %get3A_455 = arith.constant 224 : index
    %get3A_456 = tpu.vector_load %arg7[%get3A_454, %get3A_455] {strides = array<i32>} : memref<4x256xi32, #tpu.memory_space<vmem>>, vector<16xi32>,
    %gather3A_457 = tpu.vector_load_idx %arg6[%get3A_456] : memref<10240xf32, #tpu.memory_space<vmem>>[vector<16xi32>], vector<16xf32>,
    %add3A_458 = arith.addf %add3A_452, %gather3A_457 : vector<16xf32>
    %get3A_459 = arith.constant 2 : i32
    %get3A_460 = arith.index_cast %get3A_459 : i32 to index
    %get3A_461 = arith.constant 224 : index
    %get3A_462 = tpu.vector_load %arg7[%get3A_460, %get3A_461] {strides = array<i32>} : memref<4x256xi32, #tpu.memory_space<vmem>>, vector<16xi32>,
    %gather3A_463 = tpu.vector_load_idx %arg6[%get3A_462] : memref<10240xf32, #tpu.memory_space<vmem>>[vector<16xi32>], vector<16xf32>,
    %add3A_464 = arith.addf %add3A_458, %gather3A_463 : vector<16xf32>
    %get3A_465 = arith.constant 3 : i32
    %get3A_466 = arith.index_cast %get3A_465 : i32 to index
    %get3A_467 = arith.constant 224 : index
    %get3A_468 = tpu.vector_load %arg7[%get3A_466, %get3A_467] {strides = array<i32>} : memref<4x256xi32, #tpu.memory_space<vmem>>, vector<16xi32>,
    %gather3A_469 = tpu.vector_load_idx %arg6[%get3A_468] : memref<10240xf32, #tpu.memory_space<vmem>>[vector<16xi32>], vector<16xf32>,
    %add3A_470 = arith.addf %add3A_464, %gather3A_469 : vector<16xf32>
    %mul3A_471 = arith.constant 2.500000e-01 : f32
    %mul3A_472 = vector.broadcast %mul3A_471 : f32 to vector<16xf32>
    %mul3A_473 = arith.mulf %add3A_470, %mul3A_472 : vector<16xf32>
    %swap3A_474 = arith.constant 224 : index
    %swap3A_475 = tpu.vector_load %arg9[%swap3A_474] {strides = array<i32>} : memref<256xf32, #tpu.memory_space<vmem>>, vector<16xf32>,
    tpu.vector_store %arg9[%swap3A_474], %mul3A_473 {strides = array<i32>} : memref<256xf32, #tpu.memory_space<vmem>>, vector<16xf32>,
    %broadcast_in_dim3A_476 = arith.constant 0.000000e+00 : f32
    %broadcast_in_dim3A_477 = vector.broadcast %broadcast_in_dim3A_476 : f32 to vector<16xf32>
    %get3A_478 = arith.constant 0 : i32
    %get3A_479 = arith.index_cast %get3A_478 : i32 to index
    %get3A_480 = arith.constant 240 : index
    %get3A_481 = tpu.vector_load %arg7[%get3A_479, %get3A_480] {strides = array<i32>} : memref<4x256xi32, #tpu.memory_space<vmem>>, vector<16xi32>,
    %gather3A_482 = tpu.vector_load_idx %arg6[%get3A_481] : memref<10240xf32, #tpu.memory_space<vmem>>[vector<16xi32>], vector<16xf32>,
    %add3A_483 = arith.addf %broadcast_in_dim3A_477, %gather3A_482 : vector<16xf32>
    %get3A_484 = arith.constant 1 : i32
    %get3A_485 = arith.index_cast %get3A_484 : i32 to index
    %get3A_486 = arith.constant 240 : index
    %get3A_487 = tpu.vector_load %arg7[%get3A_485, %get3A_486] {strides = array<i32>} : memref<4x256xi32, #tpu.memory_space<vmem>>, vector<16xi32>,
    %gather3A_488 = tpu.vector_load_idx %arg6[%get3A_487] : memref<10240xf32, #tpu.memory_space<vmem>>[vector<16xi32>], vector<16xf32>,
    %add3A_489 = arith.addf %add3A_483, %gather3A_488 : vector<16xf32>
    %get3A_490 = arith.constant 2 : i32
    %get3A_491 = arith.index_cast %get3A_490 : i32 to index
    %get3A_492 = arith.constant 240 : index
    %get3A_493 = tpu.vector_load %arg7[%get3A_491, %get3A_492] {strides = array<i32>} : memref<4x256xi32, #tpu.memory_space<vmem>>, vector<16xi32>,
    %gather3A_494 = tpu.vector_load_idx %arg6[%get3A_493] : memref<10240xf32, #tpu.memory_space<vmem>>[vector<16xi32>], vector<16xf32>,
    %add3A_495 = arith.addf %add3A_489, %gather3A_494 : vector<16xf32>
    %get3A_496 = arith.constant 3 : i32
    %get3A_497 = arith.index_cast %get3A_496 : i32 to index
    %get3A_498 = arith.constant 240 : index
    %get3A_499 = tpu.vector_load %arg7[%get3A_497, %get3A_498] {strides = array<i32>} : memref<4x256xi32, #tpu.memory_space<vmem>>, vector<16xi32>,
    %gather3A_500 = tpu.vector_load_idx %arg6[%get3A_499] : memref<10240xf32, #tpu.memory_space<vmem>>[vector<16xi32>], vector<16xf32>,
    %add3A_501 = arith.addf %add3A_495, %gather3A_500 : vector<16xf32>
    %mul3A_502 = arith.constant 2.500000e-01 : f32
    %mul3A_503 = vector.broadcast %mul3A_502 : f32 to vector<16xf32>
    %mul3A_504 = arith.mulf %add3A_501, %mul3A_503 : vector<16xf32>
    %swap3A_505 = arith.constant 240 : index
    %swap3A_506 = tpu.vector_load %arg9[%swap3A_505] {strides = array<i32>} : memref<256xf32, #tpu.memory_space<vmem>>, vector<16xf32>,
    tpu.vector_store %arg9[%swap3A_505], %mul3A_504 {strides = array<i32>} : memref<256xf32, #tpu.memory_space<vmem>>, vector<16xf32>,
    %mul3A_507 = arith.constant 256 : i32
    %mul3A_508 = arith.muli %add3A, %mul3A_507 : i32
    %dma_start3A_509 = tpu.memref_slice %arg5[%mul3A_508] : memref<16384xf32, #tpu.memory_space<hbm>> -> memref<256xf32, #tpu.memory_space<hbm>>
    %dma_start3A_510 = tpu.memref_slice %arg5[%mul3A_508] : memref<16384xf32, #tpu.memory_space<hbm>> -> memref<256xf32, #tpu.memory_space<hbm>>
    tpu.enqueue_dma source(%arg9 : memref<256xf32, #tpu.memory_space<vmem>>) target(%dma_start3A_510 : memref<256xf32, #tpu.memory_space<hbm>>) target_semaphore(%arg11 : memref<!tpu.dma_semaphore, #tpu.memory_space<semaphore_mem>>)
    %dma_wait3A_511 = arith.constant 0 : i32
    %dma_wait3A_512 = tpu.memref_slice %arg4[%dma_wait3A_511, %mul3A_7] : memref<8x8192xi32, #tpu.memory_space<hbm>> -> memref<8x256xi32, #tpu.memory_space<hbm>>
    %dma_wait3A_513 = arith.constant 0 : i32
    %dma_wait3A_514 = tpu.memref_slice %arg4[%dma_wait3A_513, %mul3A_7] : memref<8x8192xi32, #tpu.memory_space<hbm>> -> memref<8x256xi32, #tpu.memory_space<hbm>>
    tpu.wait_dma2 semaphore(%arg11 : memref<!tpu.dma_semaphore, #tpu.memory_space<semaphore_mem>>) src(%dma_wait3A_514 : memref<8x256xi32, #tpu.memory_space<hbm>>) dst(%arg8 : memref<8x256xi32, #tpu.memory_space<vmem>>)
    %broadcast_in_dim3A_515 = arith.constant 0.000000e+00 : f32
    %broadcast_in_dim3A_516 = vector.broadcast %broadcast_in_dim3A_515 : f32 to vector<16xf32>
    %get3A_517 = arith.constant 0 : i32
    %get3A_518 = arith.index_cast %get3A_517 : i32 to index
    %get3A_519 = arith.constant 0 : index
    %get3A_520 = tpu.vector_load %arg8[%get3A_518, %get3A_519] {strides = array<i32>} : memref<8x256xi32, #tpu.memory_space<vmem>>, vector<16xi32>,
    %gather3A_521 = tpu.vector_load_idx %arg6[%get3A_520] : memref<10240xf32, #tpu.memory_space<vmem>>[vector<16xi32>], vector<16xf32>,
    %add3A_522 = arith.addf %broadcast_in_dim3A_516, %gather3A_521 : vector<16xf32>
    %get3A_523 = arith.constant 1 : i32
    %get3A_524 = arith.index_cast %get3A_523 : i32 to index
    %get3A_525 = arith.constant 0 : index
    %get3A_526 = tpu.vector_load %arg8[%get3A_524, %get3A_525] {strides = array<i32>} : memref<8x256xi32, #tpu.memory_space<vmem>>, vector<16xi32>,
    %gather3A_527 = tpu.vector_load_idx %arg6[%get3A_526] : memref<10240xf32, #tpu.memory_space<vmem>>[vector<16xi32>], vector<16xf32>,
    %add3A_528 = arith.addf %add3A_522, %gather3A_527 : vector<16xf32>
    %get3A_529 = arith.constant 2 : i32
    %get3A_530 = arith.index_cast %get3A_529 : i32 to index
    %get3A_531 = arith.constant 0 : index
    %get3A_532 = tpu.vector_load %arg8[%get3A_530, %get3A_531] {strides = array<i32>} : memref<8x256xi32, #tpu.memory_space<vmem>>, vector<16xi32>,
    %gather3A_533 = tpu.vector_load_idx %arg6[%get3A_532] : memref<10240xf32, #tpu.memory_space<vmem>>[vector<16xi32>], vector<16xf32>,
    %add3A_534 = arith.addf %add3A_528, %gather3A_533 : vector<16xf32>
    %get3A_535 = arith.constant 3 : i32
    %get3A_536 = arith.index_cast %get3A_535 : i32 to index
    %get3A_537 = arith.constant 0 : index
    %get3A_538 = tpu.vector_load %arg8[%get3A_536, %get3A_537] {strides = array<i32>} : memref<8x256xi32, #tpu.memory_space<vmem>>, vector<16xi32>,
    %gather3A_539 = tpu.vector_load_idx %arg6[%get3A_538] : memref<10240xf32, #tpu.memory_space<vmem>>[vector<16xi32>], vector<16xf32>,
    %add3A_540 = arith.addf %add3A_534, %gather3A_539 : vector<16xf32>
    %get3A_541 = arith.constant 4 : i32
    %get3A_542 = arith.index_cast %get3A_541 : i32 to index
    %get3A_543 = arith.constant 0 : index
    %get3A_544 = tpu.vector_load %arg8[%get3A_542, %get3A_543] {strides = array<i32>} : memref<8x256xi32, #tpu.memory_space<vmem>>, vector<16xi32>,
    %gather3A_545 = tpu.vector_load_idx %arg6[%get3A_544] : memref<10240xf32, #tpu.memory_space<vmem>>[vector<16xi32>], vector<16xf32>,
    %add3A_546 = arith.addf %add3A_540, %gather3A_545 : vector<16xf32>
    %get3A_547 = arith.constant 5 : i32
    %get3A_548 = arith.index_cast %get3A_547 : i32 to index
    %get3A_549 = arith.constant 0 : index
    %get3A_550 = tpu.vector_load %arg8[%get3A_548, %get3A_549] {strides = array<i32>} : memref<8x256xi32, #tpu.memory_space<vmem>>, vector<16xi32>,
    %gather3A_551 = tpu.vector_load_idx %arg6[%get3A_550] : memref<10240xf32, #tpu.memory_space<vmem>>[vector<16xi32>], vector<16xf32>,
    %add3A_552 = arith.addf %add3A_546, %gather3A_551 : vector<16xf32>
    %get3A_553 = arith.constant 6 : i32
    %get3A_554 = arith.index_cast %get3A_553 : i32 to index
    %get3A_555 = arith.constant 0 : index
    %get3A_556 = tpu.vector_load %arg8[%get3A_554, %get3A_555] {strides = array<i32>} : memref<8x256xi32, #tpu.memory_space<vmem>>, vector<16xi32>,
    %gather3A_557 = tpu.vector_load_idx %arg6[%get3A_556] : memref<10240xf32, #tpu.memory_space<vmem>>[vector<16xi32>], vector<16xf32>,
    %add3A_558 = arith.addf %add3A_552, %gather3A_557 : vector<16xf32>
    %get3A_559 = arith.constant 7 : i32
    %get3A_560 = arith.index_cast %get3A_559 : i32 to index
    %get3A_561 = arith.constant 0 : index
    %get3A_562 = tpu.vector_load %arg8[%get3A_560, %get3A_561] {strides = array<i32>} : memref<8x256xi32, #tpu.memory_space<vmem>>, vector<16xi32>,
    %gather3A_563 = tpu.vector_load_idx %arg6[%get3A_562] : memref<10240xf32, #tpu.memory_space<vmem>>[vector<16xi32>], vector<16xf32>,
    %add3A_564 = arith.addf %add3A_558, %gather3A_563 : vector<16xf32>
    %mul3A_565 = arith.constant 1.250000e-01 : f32
    %mul3A_566 = vector.broadcast %mul3A_565 : f32 to vector<16xf32>
    %mul3A_567 = arith.mulf %add3A_564, %mul3A_566 : vector<16xf32>
    %swap3A_568 = arith.constant 0 : index
    %swap3A_569 = tpu.vector_load %arg10[%swap3A_568] {strides = array<i32>} : memref<256xf32, #tpu.memory_space<vmem>>, vector<16xf32>,
    tpu.vector_store %arg10[%swap3A_568], %mul3A_567 {strides = array<i32>} : memref<256xf32, #tpu.memory_space<vmem>>, vector<16xf32>,
    %broadcast_in_dim3A_570 = arith.constant 0.000000e+00 : f32
    %broadcast_in_dim3A_571 = vector.broadcast %broadcast_in_dim3A_570 : f32 to vector<16xf32>
    %get3A_572 = arith.constant 0 : i32
    %get3A_573 = arith.index_cast %get3A_572 : i32 to index
    %get3A_574 = arith.constant 16 : index
    %get3A_575 = tpu.vector_load %arg8[%get3A_573, %get3A_574] {strides = array<i32>} : memref<8x256xi32, #tpu.memory_space<vmem>>, vector<16xi32>,
    %gather3A_576 = tpu.vector_load_idx %arg6[%get3A_575] : memref<10240xf32, #tpu.memory_space<vmem>>[vector<16xi32>], vector<16xf32>,
    %add3A_577 = arith.addf %broadcast_in_dim3A_571, %gather3A_576 : vector<16xf32>
    %get3A_578 = arith.constant 1 : i32
    %get3A_579 = arith.index_cast %get3A_578 : i32 to index
    %get3A_580 = arith.constant 16 : index
    %get3A_581 = tpu.vector_load %arg8[%get3A_579, %get3A_580] {strides = array<i32>} : memref<8x256xi32, #tpu.memory_space<vmem>>, vector<16xi32>,
    %gather3A_582 = tpu.vector_load_idx %arg6[%get3A_581] : memref<10240xf32, #tpu.memory_space<vmem>>[vector<16xi32>], vector<16xf32>,
    %add3A_583 = arith.addf %add3A_577, %gather3A_582 : vector<16xf32>
    %get3A_584 = arith.constant 2 : i32
    %get3A_585 = arith.index_cast %get3A_584 : i32 to index
    %get3A_586 = arith.constant 16 : index
    %get3A_587 = tpu.vector_load %arg8[%get3A_585, %get3A_586] {strides = array<i32>} : memref<8x256xi32, #tpu.memory_space<vmem>>, vector<16xi32>,
    %gather3A_588 = tpu.vector_load_idx %arg6[%get3A_587] : memref<10240xf32, #tpu.memory_space<vmem>>[vector<16xi32>], vector<16xf32>,
    %add3A_589 = arith.addf %add3A_583, %gather3A_588 : vector<16xf32>
    %get3A_590 = arith.constant 3 : i32
    %get3A_591 = arith.index_cast %get3A_590 : i32 to index
    %get3A_592 = arith.constant 16 : index
    %get3A_593 = tpu.vector_load %arg8[%get3A_591, %get3A_592] {strides = array<i32>} : memref<8x256xi32, #tpu.memory_space<vmem>>, vector<16xi32>,
    %gather3A_594 = tpu.vector_load_idx %arg6[%get3A_593] : memref<10240xf32, #tpu.memory_space<vmem>>[vector<16xi32>], vector<16xf32>,
    %add3A_595 = arith.addf %add3A_589, %gather3A_594 : vector<16xf32>
    %get3A_596 = arith.constant 4 : i32
    %get3A_597 = arith.index_cast %get3A_596 : i32 to index
    %get3A_598 = arith.constant 16 : index
    %get3A_599 = tpu.vector_load %arg8[%get3A_597, %get3A_598] {strides = array<i32>} : memref<8x256xi32, #tpu.memory_space<vmem>>, vector<16xi32>,
    %gather3A_600 = tpu.vector_load_idx %arg6[%get3A_599] : memref<10240xf32, #tpu.memory_space<vmem>>[vector<16xi32>], vector<16xf32>,
    %add3A_601 = arith.addf %add3A_595, %gather3A_600 : vector<16xf32>
    %get3A_602 = arith.constant 5 : i32
    %get3A_603 = arith.index_cast %get3A_602 : i32 to index
    %get3A_604 = arith.constant 16 : index
    %get3A_605 = tpu.vector_load %arg8[%get3A_603, %get3A_604] {strides = array<i32>} : memref<8x256xi32, #tpu.memory_space<vmem>>, vector<16xi32>,
    %gather3A_606 = tpu.vector_load_idx %arg6[%get3A_605] : memref<10240xf32, #tpu.memory_space<vmem>>[vector<16xi32>], vector<16xf32>,
    %add3A_607 = arith.addf %add3A_601, %gather3A_606 : vector<16xf32>
    %get3A_608 = arith.constant 6 : i32
    %get3A_609 = arith.index_cast %get3A_608 : i32 to index
    %get3A_610 = arith.constant 16 : index
    %get3A_611 = tpu.vector_load %arg8[%get3A_609, %get3A_610] {strides = array<i32>} : memref<8x256xi32, #tpu.memory_space<vmem>>, vector<16xi32>,
    %gather3A_612 = tpu.vector_load_idx %arg6[%get3A_611] : memref<10240xf32, #tpu.memory_space<vmem>>[vector<16xi32>], vector<16xf32>,
    %add3A_613 = arith.addf %add3A_607, %gather3A_612 : vector<16xf32>
    %get3A_614 = arith.constant 7 : i32
    %get3A_615 = arith.index_cast %get3A_614 : i32 to index
    %get3A_616 = arith.constant 16 : index
    %get3A_617 = tpu.vector_load %arg8[%get3A_615, %get3A_616] {strides = array<i32>} : memref<8x256xi32, #tpu.memory_space<vmem>>, vector<16xi32>,
    %gather3A_618 = tpu.vector_load_idx %arg6[%get3A_617] : memref<10240xf32, #tpu.memory_space<vmem>>[vector<16xi32>], vector<16xf32>,
    %add3A_619 = arith.addf %add3A_613, %gather3A_618 : vector<16xf32>
    %mul3A_620 = arith.constant 1.250000e-01 : f32
    %mul3A_621 = vector.broadcast %mul3A_620 : f32 to vector<16xf32>
    %mul3A_622 = arith.mulf %add3A_619, %mul3A_621 : vector<16xf32>
    %swap3A_623 = arith.constant 16 : index
    %swap3A_624 = tpu.vector_load %arg10[%swap3A_623] {strides = array<i32>} : memref<256xf32, #tpu.memory_space<vmem>>, vector<16xf32>,
    tpu.vector_store %arg10[%swap3A_623], %mul3A_622 {strides = array<i32>} : memref<256xf32, #tpu.memory_space<vmem>>, vector<16xf32>,
    %broadcast_in_dim3A_625 = arith.constant 0.000000e+00 : f32
    %broadcast_in_dim3A_626 = vector.broadcast %broadcast_in_dim3A_625 : f32 to vector<16xf32>
    %get3A_627 = arith.constant 0 : i32
    %get3A_628 = arith.index_cast %get3A_627 : i32 to index
    %get3A_629 = arith.constant 32 : index
    %get3A_630 = tpu.vector_load %arg8[%get3A_628, %get3A_629] {strides = array<i32>} : memref<8x256xi32, #tpu.memory_space<vmem>>, vector<16xi32>,
    %gather3A_631 = tpu.vector_load_idx %arg6[%get3A_630] : memref<10240xf32, #tpu.memory_space<vmem>>[vector<16xi32>], vector<16xf32>,
    %add3A_632 = arith.addf %broadcast_in_dim3A_626, %gather3A_631 : vector<16xf32>
    %get3A_633 = arith.constant 1 : i32
    %get3A_634 = arith.index_cast %get3A_633 : i32 to index
    %get3A_635 = arith.constant 32 : index
    %get3A_636 = tpu.vector_load %arg8[%get3A_634, %get3A_635] {strides = array<i32>} : memref<8x256xi32, #tpu.memory_space<vmem>>, vector<16xi32>,
    %gather3A_637 = tpu.vector_load_idx %arg6[%get3A_636] : memref<10240xf32, #tpu.memory_space<vmem>>[vector<16xi32>], vector<16xf32>,
    %add3A_638 = arith.addf %add3A_632, %gather3A_637 : vector<16xf32>
    %get3A_639 = arith.constant 2 : i32
    %get3A_640 = arith.index_cast %get3A_639 : i32 to index
    %get3A_641 = arith.constant 32 : index
    %get3A_642 = tpu.vector_load %arg8[%get3A_640, %get3A_641] {strides = array<i32>} : memref<8x256xi32, #tpu.memory_space<vmem>>, vector<16xi32>,
    %gather3A_643 = tpu.vector_load_idx %arg6[%get3A_642] : memref<10240xf32, #tpu.memory_space<vmem>>[vector<16xi32>], vector<16xf32>,
    %add3A_644 = arith.addf %add3A_638, %gather3A_643 : vector<16xf32>
    %get3A_645 = arith.constant 3 : i32
    %get3A_646 = arith.index_cast %get3A_645 : i32 to index
    %get3A_647 = arith.constant 32 : index
    %get3A_648 = tpu.vector_load %arg8[%get3A_646, %get3A_647] {strides = array<i32>} : memref<8x256xi32, #tpu.memory_space<vmem>>, vector<16xi32>,
    %gather3A_649 = tpu.vector_load_idx %arg6[%get3A_648] : memref<10240xf32, #tpu.memory_space<vmem>>[vector<16xi32>], vector<16xf32>,
    %add3A_650 = arith.addf %add3A_644, %gather3A_649 : vector<16xf32>
    %get3A_651 = arith.constant 4 : i32
    %get3A_652 = arith.index_cast %get3A_651 : i32 to index
    %get3A_653 = arith.constant 32 : index
    %get3A_654 = tpu.vector_load %arg8[%get3A_652, %get3A_653] {strides = array<i32>} : memref<8x256xi32, #tpu.memory_space<vmem>>, vector<16xi32>,
    %gather3A_655 = tpu.vector_load_idx %arg6[%get3A_654] : memref<10240xf32, #tpu.memory_space<vmem>>[vector<16xi32>], vector<16xf32>,
    %add3A_656 = arith.addf %add3A_650, %gather3A_655 : vector<16xf32>
    %get3A_657 = arith.constant 5 : i32
    %get3A_658 = arith.index_cast %get3A_657 : i32 to index
    %get3A_659 = arith.constant 32 : index
    %get3A_660 = tpu.vector_load %arg8[%get3A_658, %get3A_659] {strides = array<i32>} : memref<8x256xi32, #tpu.memory_space<vmem>>, vector<16xi32>,
    %gather3A_661 = tpu.vector_load_idx %arg6[%get3A_660] : memref<10240xf32, #tpu.memory_space<vmem>>[vector<16xi32>], vector<16xf32>,
    %add3A_662 = arith.addf %add3A_656, %gather3A_661 : vector<16xf32>
    %get3A_663 = arith.constant 6 : i32
    %get3A_664 = arith.index_cast %get3A_663 : i32 to index
    %get3A_665 = arith.constant 32 : index
    %get3A_666 = tpu.vector_load %arg8[%get3A_664, %get3A_665] {strides = array<i32>} : memref<8x256xi32, #tpu.memory_space<vmem>>, vector<16xi32>,
    %gather3A_667 = tpu.vector_load_idx %arg6[%get3A_666] : memref<10240xf32, #tpu.memory_space<vmem>>[vector<16xi32>], vector<16xf32>,
    %add3A_668 = arith.addf %add3A_662, %gather3A_667 : vector<16xf32>
    %get3A_669 = arith.constant 7 : i32
    %get3A_670 = arith.index_cast %get3A_669 : i32 to index
    %get3A_671 = arith.constant 32 : index
    %get3A_672 = tpu.vector_load %arg8[%get3A_670, %get3A_671] {strides = array<i32>} : memref<8x256xi32, #tpu.memory_space<vmem>>, vector<16xi32>,
    %gather3A_673 = tpu.vector_load_idx %arg6[%get3A_672] : memref<10240xf32, #tpu.memory_space<vmem>>[vector<16xi32>], vector<16xf32>,
    %add3A_674 = arith.addf %add3A_668, %gather3A_673 : vector<16xf32>
    %mul3A_675 = arith.constant 1.250000e-01 : f32
    %mul3A_676 = vector.broadcast %mul3A_675 : f32 to vector<16xf32>
    %mul3A_677 = arith.mulf %add3A_674, %mul3A_676 : vector<16xf32>
    %swap3A_678 = arith.constant 32 : index
    %swap3A_679 = tpu.vector_load %arg10[%swap3A_678] {strides = array<i32>} : memref<256xf32, #tpu.memory_space<vmem>>, vector<16xf32>,
    tpu.vector_store %arg10[%swap3A_678], %mul3A_677 {strides = array<i32>} : memref<256xf32, #tpu.memory_space<vmem>>, vector<16xf32>,
    %broadcast_in_dim3A_680 = arith.constant 0.000000e+00 : f32
    %broadcast_in_dim3A_681 = vector.broadcast %broadcast_in_dim3A_680 : f32 to vector<16xf32>
    %get3A_682 = arith.constant 0 : i32
    %get3A_683 = arith.index_cast %get3A_682 : i32 to index
    %get3A_684 = arith.constant 48 : index
    %get3A_685 = tpu.vector_load %arg8[%get3A_683, %get3A_684] {strides = array<i32>} : memref<8x256xi32, #tpu.memory_space<vmem>>, vector<16xi32>,
    %gather3A_686 = tpu.vector_load_idx %arg6[%get3A_685] : memref<10240xf32, #tpu.memory_space<vmem>>[vector<16xi32>], vector<16xf32>,
    %add3A_687 = arith.addf %broadcast_in_dim3A_681, %gather3A_686 : vector<16xf32>
    %get3A_688 = arith.constant 1 : i32
    %get3A_689 = arith.index_cast %get3A_688 : i32 to index
    %get3A_690 = arith.constant 48 : index
    %get3A_691 = tpu.vector_load %arg8[%get3A_689, %get3A_690] {strides = array<i32>} : memref<8x256xi32, #tpu.memory_space<vmem>>, vector<16xi32>,
    %gather3A_692 = tpu.vector_load_idx %arg6[%get3A_691] : memref<10240xf32, #tpu.memory_space<vmem>>[vector<16xi32>], vector<16xf32>,
    %add3A_693 = arith.addf %add3A_687, %gather3A_692 : vector<16xf32>
    %get3A_694 = arith.constant 2 : i32
    %get3A_695 = arith.index_cast %get3A_694 : i32 to index
    %get3A_696 = arith.constant 48 : index
    %get3A_697 = tpu.vector_load %arg8[%get3A_695, %get3A_696] {strides = array<i32>} : memref<8x256xi32, #tpu.memory_space<vmem>>, vector<16xi32>,
    %gather3A_698 = tpu.vector_load_idx %arg6[%get3A_697] : memref<10240xf32, #tpu.memory_space<vmem>>[vector<16xi32>], vector<16xf32>,
    %add3A_699 = arith.addf %add3A_693, %gather3A_698 : vector<16xf32>
    %get3A_700 = arith.constant 3 : i32
    %get3A_701 = arith.index_cast %get3A_700 : i32 to index
    %get3A_702 = arith.constant 48 : index
    %get3A_703 = tpu.vector_load %arg8[%get3A_701, %get3A_702] {strides = array<i32>} : memref<8x256xi32, #tpu.memory_space<vmem>>, vector<16xi32>,
    %gather3A_704 = tpu.vector_load_idx %arg6[%get3A_703] : memref<10240xf32, #tpu.memory_space<vmem>>[vector<16xi32>], vector<16xf32>,
    %add3A_705 = arith.addf %add3A_699, %gather3A_704 : vector<16xf32>
    %get3A_706 = arith.constant 4 : i32
    %get3A_707 = arith.index_cast %get3A_706 : i32 to index
    %get3A_708 = arith.constant 48 : index
    %get3A_709 = tpu.vector_load %arg8[%get3A_707, %get3A_708] {strides = array<i32>} : memref<8x256xi32, #tpu.memory_space<vmem>>, vector<16xi32>,
    %gather3A_710 = tpu.vector_load_idx %arg6[%get3A_709] : memref<10240xf32, #tpu.memory_space<vmem>>[vector<16xi32>], vector<16xf32>,
    %add3A_711 = arith.addf %add3A_705, %gather3A_710 : vector<16xf32>
    %get3A_712 = arith.constant 5 : i32
    %get3A_713 = arith.index_cast %get3A_712 : i32 to index
    %get3A_714 = arith.constant 48 : index
    %get3A_715 = tpu.vector_load %arg8[%get3A_713, %get3A_714] {strides = array<i32>} : memref<8x256xi32, #tpu.memory_space<vmem>>, vector<16xi32>,
    %gather3A_716 = tpu.vector_load_idx %arg6[%get3A_715] : memref<10240xf32, #tpu.memory_space<vmem>>[vector<16xi32>], vector<16xf32>,
    %add3A_717 = arith.addf %add3A_711, %gather3A_716 : vector<16xf32>
    %get3A_718 = arith.constant 6 : i32
    %get3A_719 = arith.index_cast %get3A_718 : i32 to index
    %get3A_720 = arith.constant 48 : index
    %get3A_721 = tpu.vector_load %arg8[%get3A_719, %get3A_720] {strides = array<i32>} : memref<8x256xi32, #tpu.memory_space<vmem>>, vector<16xi32>,
    %gather3A_722 = tpu.vector_load_idx %arg6[%get3A_721] : memref<10240xf32, #tpu.memory_space<vmem>>[vector<16xi32>], vector<16xf32>,
    %add3A_723 = arith.addf %add3A_717, %gather3A_722 : vector<16xf32>
    %get3A_724 = arith.constant 7 : i32
    %get3A_725 = arith.index_cast %get3A_724 : i32 to index
    %get3A_726 = arith.constant 48 : index
    %get3A_727 = tpu.vector_load %arg8[%get3A_725, %get3A_726] {strides = array<i32>} : memref<8x256xi32, #tpu.memory_space<vmem>>, vector<16xi32>,
    %gather3A_728 = tpu.vector_load_idx %arg6[%get3A_727] : memref<10240xf32, #tpu.memory_space<vmem>>[vector<16xi32>], vector<16xf32>,
    %add3A_729 = arith.addf %add3A_723, %gather3A_728 : vector<16xf32>
    %mul3A_730 = arith.constant 1.250000e-01 : f32
    %mul3A_731 = vector.broadcast %mul3A_730 : f32 to vector<16xf32>
    %mul3A_732 = arith.mulf %add3A_729, %mul3A_731 : vector<16xf32>
    %swap3A_733 = arith.constant 48 : index
    %swap3A_734 = tpu.vector_load %arg10[%swap3A_733] {strides = array<i32>} : memref<256xf32, #tpu.memory_space<vmem>>, vector<16xf32>,
    tpu.vector_store %arg10[%swap3A_733], %mul3A_732 {strides = array<i32>} : memref<256xf32, #tpu.memory_space<vmem>>, vector<16xf32>,
    %broadcast_in_dim3A_735 = arith.constant 0.000000e+00 : f32
    %broadcast_in_dim3A_736 = vector.broadcast %broadcast_in_dim3A_735 : f32 to vector<16xf32>
    %get3A_737 = arith.constant 0 : i32
    %get3A_738 = arith.index_cast %get3A_737 : i32 to index
    %get3A_739 = arith.constant 64 : index
    %get3A_740 = tpu.vector_load %arg8[%get3A_738, %get3A_739] {strides = array<i32>} : memref<8x256xi32, #tpu.memory_space<vmem>>, vector<16xi32>,
    %gather3A_741 = tpu.vector_load_idx %arg6[%get3A_740] : memref<10240xf32, #tpu.memory_space<vmem>>[vector<16xi32>], vector<16xf32>,
    %add3A_742 = arith.addf %broadcast_in_dim3A_736, %gather3A_741 : vector<16xf32>
    %get3A_743 = arith.constant 1 : i32
    %get3A_744 = arith.index_cast %get3A_743 : i32 to index
    %get3A_745 = arith.constant 64 : index
    %get3A_746 = tpu.vector_load %arg8[%get3A_744, %get3A_745] {strides = array<i32>} : memref<8x256xi32, #tpu.memory_space<vmem>>, vector<16xi32>,
    %gather3A_747 = tpu.vector_load_idx %arg6[%get3A_746] : memref<10240xf32, #tpu.memory_space<vmem>>[vector<16xi32>], vector<16xf32>,
    %add3A_748 = arith.addf %add3A_742, %gather3A_747 : vector<16xf32>
    %get3A_749 = arith.constant 2 : i32
    %get3A_750 = arith.index_cast %get3A_749 : i32 to index
    %get3A_751 = arith.constant 64 : index
    %get3A_752 = tpu.vector_load %arg8[%get3A_750, %get3A_751] {strides = array<i32>} : memref<8x256xi32, #tpu.memory_space<vmem>>, vector<16xi32>,
    %gather3A_753 = tpu.vector_load_idx %arg6[%get3A_752] : memref<10240xf32, #tpu.memory_space<vmem>>[vector<16xi32>], vector<16xf32>,
    %add3A_754 = arith.addf %add3A_748, %gather3A_753 : vector<16xf32>
    %get3A_755 = arith.constant 3 : i32
    %get3A_756 = arith.index_cast %get3A_755 : i32 to index
    %get3A_757 = arith.constant 64 : index
    %get3A_758 = tpu.vector_load %arg8[%get3A_756, %get3A_757] {strides = array<i32>} : memref<8x256xi32, #tpu.memory_space<vmem>>, vector<16xi32>,
    %gather3A_759 = tpu.vector_load_idx %arg6[%get3A_758] : memref<10240xf32, #tpu.memory_space<vmem>>[vector<16xi32>], vector<16xf32>,
    %add3A_760 = arith.addf %add3A_754, %gather3A_759 : vector<16xf32>
    %get3A_761 = arith.constant 4 : i32
    %get3A_762 = arith.index_cast %get3A_761 : i32 to index
    %get3A_763 = arith.constant 64 : index
    %get3A_764 = tpu.vector_load %arg8[%get3A_762, %get3A_763] {strides = array<i32>} : memref<8x256xi32, #tpu.memory_space<vmem>>, vector<16xi32>,
    %gather3A_765 = tpu.vector_load_idx %arg6[%get3A_764] : memref<10240xf32, #tpu.memory_space<vmem>>[vector<16xi32>], vector<16xf32>,
    %add3A_766 = arith.addf %add3A_760, %gather3A_765 : vector<16xf32>
    %get3A_767 = arith.constant 5 : i32
    %get3A_768 = arith.index_cast %get3A_767 : i32 to index
    %get3A_769 = arith.constant 64 : index
    %get3A_770 = tpu.vector_load %arg8[%get3A_768, %get3A_769] {strides = array<i32>} : memref<8x256xi32, #tpu.memory_space<vmem>>, vector<16xi32>,
    %gather3A_771 = tpu.vector_load_idx %arg6[%get3A_770] : memref<10240xf32, #tpu.memory_space<vmem>>[vector<16xi32>], vector<16xf32>,
    %add3A_772 = arith.addf %add3A_766, %gather3A_771 : vector<16xf32>
    %get3A_773 = arith.constant 6 : i32
    %get3A_774 = arith.index_cast %get3A_773 : i32 to index
    %get3A_775 = arith.constant 64 : index
    %get3A_776 = tpu.vector_load %arg8[%get3A_774, %get3A_775] {strides = array<i32>} : memref<8x256xi32, #tpu.memory_space<vmem>>, vector<16xi32>,
    %gather3A_777 = tpu.vector_load_idx %arg6[%get3A_776] : memref<10240xf32, #tpu.memory_space<vmem>>[vector<16xi32>], vector<16xf32>,
    %add3A_778 = arith.addf %add3A_772, %gather3A_777 : vector<16xf32>
    %get3A_779 = arith.constant 7 : i32
    %get3A_780 = arith.index_cast %get3A_779 : i32 to index
    %get3A_781 = arith.constant 64 : index
    %get3A_782 = tpu.vector_load %arg8[%get3A_780, %get3A_781] {strides = array<i32>} : memref<8x256xi32, #tpu.memory_space<vmem>>, vector<16xi32>,
    %gather3A_783 = tpu.vector_load_idx %arg6[%get3A_782] : memref<10240xf32, #tpu.memory_space<vmem>>[vector<16xi32>], vector<16xf32>,
    %add3A_784 = arith.addf %add3A_778, %gather3A_783 : vector<16xf32>
    %mul3A_785 = arith.constant 1.250000e-01 : f32
    %mul3A_786 = vector.broadcast %mul3A_785 : f32 to vector<16xf32>
    %mul3A_787 = arith.mulf %add3A_784, %mul3A_786 : vector<16xf32>
    %swap3A_788 = arith.constant 64 : index
    %swap3A_789 = tpu.vector_load %arg10[%swap3A_788] {strides = array<i32>} : memref<256xf32, #tpu.memory_space<vmem>>, vector<16xf32>,
    tpu.vector_store %arg10[%swap3A_788], %mul3A_787 {strides = array<i32>} : memref<256xf32, #tpu.memory_space<vmem>>, vector<16xf32>,
    %broadcast_in_dim3A_790 = arith.constant 0.000000e+00 : f32
    %broadcast_in_dim3A_791 = vector.broadcast %broadcast_in_dim3A_790 : f32 to vector<16xf32>
    %get3A_792 = arith.constant 0 : i32
    %get3A_793 = arith.index_cast %get3A_792 : i32 to index
    %get3A_794 = arith.constant 80 : index
    %get3A_795 = tpu.vector_load %arg8[%get3A_793, %get3A_794] {strides = array<i32>} : memref<8x256xi32, #tpu.memory_space<vmem>>, vector<16xi32>,
    %gather3A_796 = tpu.vector_load_idx %arg6[%get3A_795] : memref<10240xf32, #tpu.memory_space<vmem>>[vector<16xi32>], vector<16xf32>,
    %add3A_797 = arith.addf %broadcast_in_dim3A_791, %gather3A_796 : vector<16xf32>
    %get3A_798 = arith.constant 1 : i32
    %get3A_799 = arith.index_cast %get3A_798 : i32 to index
    %get3A_800 = arith.constant 80 : index
    %get3A_801 = tpu.vector_load %arg8[%get3A_799, %get3A_800] {strides = array<i32>} : memref<8x256xi32, #tpu.memory_space<vmem>>, vector<16xi32>,
    %gather3A_802 = tpu.vector_load_idx %arg6[%get3A_801] : memref<10240xf32, #tpu.memory_space<vmem>>[vector<16xi32>], vector<16xf32>,
    %add3A_803 = arith.addf %add3A_797, %gather3A_802 : vector<16xf32>
    %get3A_804 = arith.constant 2 : i32
    %get3A_805 = arith.index_cast %get3A_804 : i32 to index
    %get3A_806 = arith.constant 80 : index
    %get3A_807 = tpu.vector_load %arg8[%get3A_805, %get3A_806] {strides = array<i32>} : memref<8x256xi32, #tpu.memory_space<vmem>>, vector<16xi32>,
    %gather3A_808 = tpu.vector_load_idx %arg6[%get3A_807] : memref<10240xf32, #tpu.memory_space<vmem>>[vector<16xi32>], vector<16xf32>,
    %add3A_809 = arith.addf %add3A_803, %gather3A_808 : vector<16xf32>
    %get3A_810 = arith.constant 3 : i32
    %get3A_811 = arith.index_cast %get3A_810 : i32 to index
    %get3A_812 = arith.constant 80 : index
    %get3A_813 = tpu.vector_load %arg8[%get3A_811, %get3A_812] {strides = array<i32>} : memref<8x256xi32, #tpu.memory_space<vmem>>, vector<16xi32>,
    %gather3A_814 = tpu.vector_load_idx %arg6[%get3A_813] : memref<10240xf32, #tpu.memory_space<vmem>>[vector<16xi32>], vector<16xf32>,
    %add3A_815 = arith.addf %add3A_809, %gather3A_814 : vector<16xf32>
    %get3A_816 = arith.constant 4 : i32
    %get3A_817 = arith.index_cast %get3A_816 : i32 to index
    %get3A_818 = arith.constant 80 : index
    %get3A_819 = tpu.vector_load %arg8[%get3A_817, %get3A_818] {strides = array<i32>} : memref<8x256xi32, #tpu.memory_space<vmem>>, vector<16xi32>,
    %gather3A_820 = tpu.vector_load_idx %arg6[%get3A_819] : memref<10240xf32, #tpu.memory_space<vmem>>[vector<16xi32>], vector<16xf32>,
    %add3A_821 = arith.addf %add3A_815, %gather3A_820 : vector<16xf32>
    %get3A_822 = arith.constant 5 : i32
    %get3A_823 = arith.index_cast %get3A_822 : i32 to index
    %get3A_824 = arith.constant 80 : index
    %get3A_825 = tpu.vector_load %arg8[%get3A_823, %get3A_824] {strides = array<i32>} : memref<8x256xi32, #tpu.memory_space<vmem>>, vector<16xi32>,
    %gather3A_826 = tpu.vector_load_idx %arg6[%get3A_825] : memref<10240xf32, #tpu.memory_space<vmem>>[vector<16xi32>], vector<16xf32>,
    %add3A_827 = arith.addf %add3A_821, %gather3A_826 : vector<16xf32>
    %get3A_828 = arith.constant 6 : i32
    %get3A_829 = arith.index_cast %get3A_828 : i32 to index
    %get3A_830 = arith.constant 80 : index
    %get3A_831 = tpu.vector_load %arg8[%get3A_829, %get3A_830] {strides = array<i32>} : memref<8x256xi32, #tpu.memory_space<vmem>>, vector<16xi32>,
    %gather3A_832 = tpu.vector_load_idx %arg6[%get3A_831] : memref<10240xf32, #tpu.memory_space<vmem>>[vector<16xi32>], vector<16xf32>,
    %add3A_833 = arith.addf %add3A_827, %gather3A_832 : vector<16xf32>
    %get3A_834 = arith.constant 7 : i32
    %get3A_835 = arith.index_cast %get3A_834 : i32 to index
    %get3A_836 = arith.constant 80 : index
    %get3A_837 = tpu.vector_load %arg8[%get3A_835, %get3A_836] {strides = array<i32>} : memref<8x256xi32, #tpu.memory_space<vmem>>, vector<16xi32>,
    %gather3A_838 = tpu.vector_load_idx %arg6[%get3A_837] : memref<10240xf32, #tpu.memory_space<vmem>>[vector<16xi32>], vector<16xf32>,
    %add3A_839 = arith.addf %add3A_833, %gather3A_838 : vector<16xf32>
    %mul3A_840 = arith.constant 1.250000e-01 : f32
    %mul3A_841 = vector.broadcast %mul3A_840 : f32 to vector<16xf32>
    %mul3A_842 = arith.mulf %add3A_839, %mul3A_841 : vector<16xf32>
    %swap3A_843 = arith.constant 80 : index
    %swap3A_844 = tpu.vector_load %arg10[%swap3A_843] {strides = array<i32>} : memref<256xf32, #tpu.memory_space<vmem>>, vector<16xf32>,
    tpu.vector_store %arg10[%swap3A_843], %mul3A_842 {strides = array<i32>} : memref<256xf32, #tpu.memory_space<vmem>>, vector<16xf32>,
    %broadcast_in_dim3A_845 = arith.constant 0.000000e+00 : f32
    %broadcast_in_dim3A_846 = vector.broadcast %broadcast_in_dim3A_845 : f32 to vector<16xf32>
    %get3A_847 = arith.constant 0 : i32
    %get3A_848 = arith.index_cast %get3A_847 : i32 to index
    %get3A_849 = arith.constant 96 : index
    %get3A_850 = tpu.vector_load %arg8[%get3A_848, %get3A_849] {strides = array<i32>} : memref<8x256xi32, #tpu.memory_space<vmem>>, vector<16xi32>,
    %gather3A_851 = tpu.vector_load_idx %arg6[%get3A_850] : memref<10240xf32, #tpu.memory_space<vmem>>[vector<16xi32>], vector<16xf32>,
    %add3A_852 = arith.addf %broadcast_in_dim3A_846, %gather3A_851 : vector<16xf32>
    %get3A_853 = arith.constant 1 : i32
    %get3A_854 = arith.index_cast %get3A_853 : i32 to index
    %get3A_855 = arith.constant 96 : index
    %get3A_856 = tpu.vector_load %arg8[%get3A_854, %get3A_855] {strides = array<i32>} : memref<8x256xi32, #tpu.memory_space<vmem>>, vector<16xi32>,
    %gather3A_857 = tpu.vector_load_idx %arg6[%get3A_856] : memref<10240xf32, #tpu.memory_space<vmem>>[vector<16xi32>], vector<16xf32>,
    %add3A_858 = arith.addf %add3A_852, %gather3A_857 : vector<16xf32>
    %get3A_859 = arith.constant 2 : i32
    %get3A_860 = arith.index_cast %get3A_859 : i32 to index
    %get3A_861 = arith.constant 96 : index
    %get3A_862 = tpu.vector_load %arg8[%get3A_860, %get3A_861] {strides = array<i32>} : memref<8x256xi32, #tpu.memory_space<vmem>>, vector<16xi32>,
    %gather3A_863 = tpu.vector_load_idx %arg6[%get3A_862] : memref<10240xf32, #tpu.memory_space<vmem>>[vector<16xi32>], vector<16xf32>,
    %add3A_864 = arith.addf %add3A_858, %gather3A_863 : vector<16xf32>
    %get3A_865 = arith.constant 3 : i32
    %get3A_866 = arith.index_cast %get3A_865 : i32 to index
    %get3A_867 = arith.constant 96 : index
    %get3A_868 = tpu.vector_load %arg8[%get3A_866, %get3A_867] {strides = array<i32>} : memref<8x256xi32, #tpu.memory_space<vmem>>, vector<16xi32>,
    %gather3A_869 = tpu.vector_load_idx %arg6[%get3A_868] : memref<10240xf32, #tpu.memory_space<vmem>>[vector<16xi32>], vector<16xf32>,
    %add3A_870 = arith.addf %add3A_864, %gather3A_869 : vector<16xf32>
    %get3A_871 = arith.constant 4 : i32
    %get3A_872 = arith.index_cast %get3A_871 : i32 to index
    %get3A_873 = arith.constant 96 : index
    %get3A_874 = tpu.vector_load %arg8[%get3A_872, %get3A_873] {strides = array<i32>} : memref<8x256xi32, #tpu.memory_space<vmem>>, vector<16xi32>,
    %gather3A_875 = tpu.vector_load_idx %arg6[%get3A_874] : memref<10240xf32, #tpu.memory_space<vmem>>[vector<16xi32>], vector<16xf32>,
    %add3A_876 = arith.addf %add3A_870, %gather3A_875 : vector<16xf32>
    %get3A_877 = arith.constant 5 : i32
    %get3A_878 = arith.index_cast %get3A_877 : i32 to index
    %get3A_879 = arith.constant 96 : index
    %get3A_880 = tpu.vector_load %arg8[%get3A_878, %get3A_879] {strides = array<i32>} : memref<8x256xi32, #tpu.memory_space<vmem>>, vector<16xi32>,
    %gather3A_881 = tpu.vector_load_idx %arg6[%get3A_880] : memref<10240xf32, #tpu.memory_space<vmem>>[vector<16xi32>], vector<16xf32>,
    %add3A_882 = arith.addf %add3A_876, %gather3A_881 : vector<16xf32>
    %get3A_883 = arith.constant 6 : i32
    %get3A_884 = arith.index_cast %get3A_883 : i32 to index
    %get3A_885 = arith.constant 96 : index
    %get3A_886 = tpu.vector_load %arg8[%get3A_884, %get3A_885] {strides = array<i32>} : memref<8x256xi32, #tpu.memory_space<vmem>>, vector<16xi32>,
    %gather3A_887 = tpu.vector_load_idx %arg6[%get3A_886] : memref<10240xf32, #tpu.memory_space<vmem>>[vector<16xi32>], vector<16xf32>,
    %add3A_888 = arith.addf %add3A_882, %gather3A_887 : vector<16xf32>
    %get3A_889 = arith.constant 7 : i32
    %get3A_890 = arith.index_cast %get3A_889 : i32 to index
    %get3A_891 = arith.constant 96 : index
    %get3A_892 = tpu.vector_load %arg8[%get3A_890, %get3A_891] {strides = array<i32>} : memref<8x256xi32, #tpu.memory_space<vmem>>, vector<16xi32>,
    %gather3A_893 = tpu.vector_load_idx %arg6[%get3A_892] : memref<10240xf32, #tpu.memory_space<vmem>>[vector<16xi32>], vector<16xf32>,
    %add3A_894 = arith.addf %add3A_888, %gather3A_893 : vector<16xf32>
    %mul3A_895 = arith.constant 1.250000e-01 : f32
    %mul3A_896 = vector.broadcast %mul3A_895 : f32 to vector<16xf32>
    %mul3A_897 = arith.mulf %add3A_894, %mul3A_896 : vector<16xf32>
    %swap3A_898 = arith.constant 96 : index
    %swap3A_899 = tpu.vector_load %arg10[%swap3A_898] {strides = array<i32>} : memref<256xf32, #tpu.memory_space<vmem>>, vector<16xf32>,
    tpu.vector_store %arg10[%swap3A_898], %mul3A_897 {strides = array<i32>} : memref<256xf32, #tpu.memory_space<vmem>>, vector<16xf32>,
    %broadcast_in_dim3A_900 = arith.constant 0.000000e+00 : f32
    %broadcast_in_dim3A_901 = vector.broadcast %broadcast_in_dim3A_900 : f32 to vector<16xf32>
    %get3A_902 = arith.constant 0 : i32
    %get3A_903 = arith.index_cast %get3A_902 : i32 to index
    %get3A_904 = arith.constant 112 : index
    %get3A_905 = tpu.vector_load %arg8[%get3A_903, %get3A_904] {strides = array<i32>} : memref<8x256xi32, #tpu.memory_space<vmem>>, vector<16xi32>,
    %gather3A_906 = tpu.vector_load_idx %arg6[%get3A_905] : memref<10240xf32, #tpu.memory_space<vmem>>[vector<16xi32>], vector<16xf32>,
    %add3A_907 = arith.addf %broadcast_in_dim3A_901, %gather3A_906 : vector<16xf32>
    %get3A_908 = arith.constant 1 : i32
    %get3A_909 = arith.index_cast %get3A_908 : i32 to index
    %get3A_910 = arith.constant 112 : index
    %get3A_911 = tpu.vector_load %arg8[%get3A_909, %get3A_910] {strides = array<i32>} : memref<8x256xi32, #tpu.memory_space<vmem>>, vector<16xi32>,
    %gather3A_912 = tpu.vector_load_idx %arg6[%get3A_911] : memref<10240xf32, #tpu.memory_space<vmem>>[vector<16xi32>], vector<16xf32>,
    %add3A_913 = arith.addf %add3A_907, %gather3A_912 : vector<16xf32>
    %get3A_914 = arith.constant 2 : i32
    %get3A_915 = arith.index_cast %get3A_914 : i32 to index
    %get3A_916 = arith.constant 112 : index
    %get3A_917 = tpu.vector_load %arg8[%get3A_915, %get3A_916] {strides = array<i32>} : memref<8x256xi32, #tpu.memory_space<vmem>>, vector<16xi32>,
    %gather3A_918 = tpu.vector_load_idx %arg6[%get3A_917] : memref<10240xf32, #tpu.memory_space<vmem>>[vector<16xi32>], vector<16xf32>,
    %add3A_919 = arith.addf %add3A_913, %gather3A_918 : vector<16xf32>
    %get3A_920 = arith.constant 3 : i32
    %get3A_921 = arith.index_cast %get3A_920 : i32 to index
    %get3A_922 = arith.constant 112 : index
    %get3A_923 = tpu.vector_load %arg8[%get3A_921, %get3A_922] {strides = array<i32>} : memref<8x256xi32, #tpu.memory_space<vmem>>, vector<16xi32>,
    %gather3A_924 = tpu.vector_load_idx %arg6[%get3A_923] : memref<10240xf32, #tpu.memory_space<vmem>>[vector<16xi32>], vector<16xf32>,
    %add3A_925 = arith.addf %add3A_919, %gather3A_924 : vector<16xf32>
    %get3A_926 = arith.constant 4 : i32
    %get3A_927 = arith.index_cast %get3A_926 : i32 to index
    %get3A_928 = arith.constant 112 : index
    %get3A_929 = tpu.vector_load %arg8[%get3A_927, %get3A_928] {strides = array<i32>} : memref<8x256xi32, #tpu.memory_space<vmem>>, vector<16xi32>,
    %gather3A_930 = tpu.vector_load_idx %arg6[%get3A_929] : memref<10240xf32, #tpu.memory_space<vmem>>[vector<16xi32>], vector<16xf32>,
    %add3A_931 = arith.addf %add3A_925, %gather3A_930 : vector<16xf32>
    %get3A_932 = arith.constant 5 : i32
    %get3A_933 = arith.index_cast %get3A_932 : i32 to index
    %get3A_934 = arith.constant 112 : index
    %get3A_935 = tpu.vector_load %arg8[%get3A_933, %get3A_934] {strides = array<i32>} : memref<8x256xi32, #tpu.memory_space<vmem>>, vector<16xi32>,
    %gather3A_936 = tpu.vector_load_idx %arg6[%get3A_935] : memref<10240xf32, #tpu.memory_space<vmem>>[vector<16xi32>], vector<16xf32>,
    %add3A_937 = arith.addf %add3A_931, %gather3A_936 : vector<16xf32>
    %get3A_938 = arith.constant 6 : i32
    %get3A_939 = arith.index_cast %get3A_938 : i32 to index
    %get3A_940 = arith.constant 112 : index
    %get3A_941 = tpu.vector_load %arg8[%get3A_939, %get3A_940] {strides = array<i32>} : memref<8x256xi32, #tpu.memory_space<vmem>>, vector<16xi32>,
    %gather3A_942 = tpu.vector_load_idx %arg6[%get3A_941] : memref<10240xf32, #tpu.memory_space<vmem>>[vector<16xi32>], vector<16xf32>,
    %add3A_943 = arith.addf %add3A_937, %gather3A_942 : vector<16xf32>
    %get3A_944 = arith.constant 7 : i32
    %get3A_945 = arith.index_cast %get3A_944 : i32 to index
    %get3A_946 = arith.constant 112 : index
    %get3A_947 = tpu.vector_load %arg8[%get3A_945, %get3A_946] {strides = array<i32>} : memref<8x256xi32, #tpu.memory_space<vmem>>, vector<16xi32>,
    %gather3A_948 = tpu.vector_load_idx %arg6[%get3A_947] : memref<10240xf32, #tpu.memory_space<vmem>>[vector<16xi32>], vector<16xf32>,
    %add3A_949 = arith.addf %add3A_943, %gather3A_948 : vector<16xf32>
    %mul3A_950 = arith.constant 1.250000e-01 : f32
    %mul3A_951 = vector.broadcast %mul3A_950 : f32 to vector<16xf32>
    %mul3A_952 = arith.mulf %add3A_949, %mul3A_951 : vector<16xf32>
    %swap3A_953 = arith.constant 112 : index
    %swap3A_954 = tpu.vector_load %arg10[%swap3A_953] {strides = array<i32>} : memref<256xf32, #tpu.memory_space<vmem>>, vector<16xf32>,
    tpu.vector_store %arg10[%swap3A_953], %mul3A_952 {strides = array<i32>} : memref<256xf32, #tpu.memory_space<vmem>>, vector<16xf32>,
    %broadcast_in_dim3A_955 = arith.constant 0.000000e+00 : f32
    %broadcast_in_dim3A_956 = vector.broadcast %broadcast_in_dim3A_955 : f32 to vector<16xf32>
    %get3A_957 = arith.constant 0 : i32
    %get3A_958 = arith.index_cast %get3A_957 : i32 to index
    %get3A_959 = arith.constant 128 : index
    %get3A_960 = tpu.vector_load %arg8[%get3A_958, %get3A_959] {strides = array<i32>} : memref<8x256xi32, #tpu.memory_space<vmem>>, vector<16xi32>,
    %gather3A_961 = tpu.vector_load_idx %arg6[%get3A_960] : memref<10240xf32, #tpu.memory_space<vmem>>[vector<16xi32>], vector<16xf32>,
    %add3A_962 = arith.addf %broadcast_in_dim3A_956, %gather3A_961 : vector<16xf32>
    %get3A_963 = arith.constant 1 : i32
    %get3A_964 = arith.index_cast %get3A_963 : i32 to index
    %get3A_965 = arith.constant 128 : index
    %get3A_966 = tpu.vector_load %arg8[%get3A_964, %get3A_965] {strides = array<i32>} : memref<8x256xi32, #tpu.memory_space<vmem>>, vector<16xi32>,
    %gather3A_967 = tpu.vector_load_idx %arg6[%get3A_966] : memref<10240xf32, #tpu.memory_space<vmem>>[vector<16xi32>], vector<16xf32>,
    %add3A_968 = arith.addf %add3A_962, %gather3A_967 : vector<16xf32>
    %get3A_969 = arith.constant 2 : i32
    %get3A_970 = arith.index_cast %get3A_969 : i32 to index
    %get3A_971 = arith.constant 128 : index
    %get3A_972 = tpu.vector_load %arg8[%get3A_970, %get3A_971] {strides = array<i32>} : memref<8x256xi32, #tpu.memory_space<vmem>>, vector<16xi32>,
    %gather3A_973 = tpu.vector_load_idx %arg6[%get3A_972] : memref<10240xf32, #tpu.memory_space<vmem>>[vector<16xi32>], vector<16xf32>,
    %add3A_974 = arith.addf %add3A_968, %gather3A_973 : vector<16xf32>
    %get3A_975 = arith.constant 3 : i32
    %get3A_976 = arith.index_cast %get3A_975 : i32 to index
    %get3A_977 = arith.constant 128 : index
    %get3A_978 = tpu.vector_load %arg8[%get3A_976, %get3A_977] {strides = array<i32>} : memref<8x256xi32, #tpu.memory_space<vmem>>, vector<16xi32>,
    %gather3A_979 = tpu.vector_load_idx %arg6[%get3A_978] : memref<10240xf32, #tpu.memory_space<vmem>>[vector<16xi32>], vector<16xf32>,
    %add3A_980 = arith.addf %add3A_974, %gather3A_979 : vector<16xf32>
    %get3A_981 = arith.constant 4 : i32
    %get3A_982 = arith.index_cast %get3A_981 : i32 to index
    %get3A_983 = arith.constant 128 : index
    %get3A_984 = tpu.vector_load %arg8[%get3A_982, %get3A_983] {strides = array<i32>} : memref<8x256xi32, #tpu.memory_space<vmem>>, vector<16xi32>,
    %gather3A_985 = tpu.vector_load_idx %arg6[%get3A_984] : memref<10240xf32, #tpu.memory_space<vmem>>[vector<16xi32>], vector<16xf32>,
    %add3A_986 = arith.addf %add3A_980, %gather3A_985 : vector<16xf32>
    %get3A_987 = arith.constant 5 : i32
    %get3A_988 = arith.index_cast %get3A_987 : i32 to index
    %get3A_989 = arith.constant 128 : index
    %get3A_990 = tpu.vector_load %arg8[%get3A_988, %get3A_989] {strides = array<i32>} : memref<8x256xi32, #tpu.memory_space<vmem>>, vector<16xi32>,
    %gather3A_991 = tpu.vector_load_idx %arg6[%get3A_990] : memref<10240xf32, #tpu.memory_space<vmem>>[vector<16xi32>], vector<16xf32>,
    %add3A_992 = arith.addf %add3A_986, %gather3A_991 : vector<16xf32>
    %get3A_993 = arith.constant 6 : i32
    %get3A_994 = arith.index_cast %get3A_993 : i32 to index
    %get3A_995 = arith.constant 128 : index
    %get3A_996 = tpu.vector_load %arg8[%get3A_994, %get3A_995] {strides = array<i32>} : memref<8x256xi32, #tpu.memory_space<vmem>>, vector<16xi32>,
    %gather3A_997 = tpu.vector_load_idx %arg6[%get3A_996] : memref<10240xf32, #tpu.memory_space<vmem>>[vector<16xi32>], vector<16xf32>,
    %add3A_998 = arith.addf %add3A_992, %gather3A_997 : vector<16xf32>
    %get3A_999 = arith.constant 7 : i32
    %get3A_1000 = arith.index_cast %get3A_999 : i32 to index
    %get3A_1001 = arith.constant 128 : index
    %get3A_1002 = tpu.vector_load %arg8[%get3A_1000, %get3A_1001] {strides = array<i32>} : memref<8x256xi32, #tpu.memory_space<vmem>>, vector<16xi32>,
    %gather3A_1003 = tpu.vector_load_idx %arg6[%get3A_1002] : memref<10240xf32, #tpu.memory_space<vmem>>[vector<16xi32>], vector<16xf32>,
    %add3A_1004 = arith.addf %add3A_998, %gather3A_1003 : vector<16xf32>
    %mul3A_1005 = arith.constant 1.250000e-01 : f32
    %mul3A_1006 = vector.broadcast %mul3A_1005 : f32 to vector<16xf32>
    %mul3A_1007 = arith.mulf %add3A_1004, %mul3A_1006 : vector<16xf32>
    %swap3A_1008 = arith.constant 128 : index
    %swap3A_1009 = tpu.vector_load %arg10[%swap3A_1008] {strides = array<i32>} : memref<256xf32, #tpu.memory_space<vmem>>, vector<16xf32>,
    tpu.vector_store %arg10[%swap3A_1008], %mul3A_1007 {strides = array<i32>} : memref<256xf32, #tpu.memory_space<vmem>>, vector<16xf32>,
    %broadcast_in_dim3A_1010 = arith.constant 0.000000e+00 : f32
    %broadcast_in_dim3A_1011 = vector.broadcast %broadcast_in_dim3A_1010 : f32 to vector<16xf32>
    %get3A_1012 = arith.constant 0 : i32
    %get3A_1013 = arith.index_cast %get3A_1012 : i32 to index
    %get3A_1014 = arith.constant 144 : index
    %get3A_1015 = tpu.vector_load %arg8[%get3A_1013, %get3A_1014] {strides = array<i32>} : memref<8x256xi32, #tpu.memory_space<vmem>>, vector<16xi32>,
    %gather3A_1016 = tpu.vector_load_idx %arg6[%get3A_1015] : memref<10240xf32, #tpu.memory_space<vmem>>[vector<16xi32>], vector<16xf32>,
    %add3A_1017 = arith.addf %broadcast_in_dim3A_1011, %gather3A_1016 : vector<16xf32>
    %get3A_1018 = arith.constant 1 : i32
    %get3A_1019 = arith.index_cast %get3A_1018 : i32 to index
    %get3A_1020 = arith.constant 144 : index
    %get3A_1021 = tpu.vector_load %arg8[%get3A_1019, %get3A_1020] {strides = array<i32>} : memref<8x256xi32, #tpu.memory_space<vmem>>, vector<16xi32>,
    %gather3A_1022 = tpu.vector_load_idx %arg6[%get3A_1021] : memref<10240xf32, #tpu.memory_space<vmem>>[vector<16xi32>], vector<16xf32>,
    %add3A_1023 = arith.addf %add3A_1017, %gather3A_1022 : vector<16xf32>
    %get3A_1024 = arith.constant 2 : i32
    %get3A_1025 = arith.index_cast %get3A_1024 : i32 to index
    %get3A_1026 = arith.constant 144 : index
    %get3A_1027 = tpu.vector_load %arg8[%get3A_1025, %get3A_1026] {strides = array<i32>} : memref<8x256xi32, #tpu.memory_space<vmem>>, vector<16xi32>,
    %gather3A_1028 = tpu.vector_load_idx %arg6[%get3A_1027] : memref<10240xf32, #tpu.memory_space<vmem>>[vector<16xi32>], vector<16xf32>,
    %add3A_1029 = arith.addf %add3A_1023, %gather3A_1028 : vector<16xf32>
    %get3A_1030 = arith.constant 3 : i32
    %get3A_1031 = arith.index_cast %get3A_1030 : i32 to index
    %get3A_1032 = arith.constant 144 : index
    %get3A_1033 = tpu.vector_load %arg8[%get3A_1031, %get3A_1032] {strides = array<i32>} : memref<8x256xi32, #tpu.memory_space<vmem>>, vector<16xi32>,
    %gather3A_1034 = tpu.vector_load_idx %arg6[%get3A_1033] : memref<10240xf32, #tpu.memory_space<vmem>>[vector<16xi32>], vector<16xf32>,
    %add3A_1035 = arith.addf %add3A_1029, %gather3A_1034 : vector<16xf32>
    %get3A_1036 = arith.constant 4 : i32
    %get3A_1037 = arith.index_cast %get3A_1036 : i32 to index
    %get3A_1038 = arith.constant 144 : index
    %get3A_1039 = tpu.vector_load %arg8[%get3A_1037, %get3A_1038] {strides = array<i32>} : memref<8x256xi32, #tpu.memory_space<vmem>>, vector<16xi32>,
    %gather3A_1040 = tpu.vector_load_idx %arg6[%get3A_1039] : memref<10240xf32, #tpu.memory_space<vmem>>[vector<16xi32>], vector<16xf32>,
    %add3A_1041 = arith.addf %add3A_1035, %gather3A_1040 : vector<16xf32>
    %get3A_1042 = arith.constant 5 : i32
    %get3A_1043 = arith.index_cast %get3A_1042 : i32 to index
    %get3A_1044 = arith.constant 144 : index
    %get3A_1045 = tpu.vector_load %arg8[%get3A_1043, %get3A_1044] {strides = array<i32>} : memref<8x256xi32, #tpu.memory_space<vmem>>, vector<16xi32>,
    %gather3A_1046 = tpu.vector_load_idx %arg6[%get3A_1045] : memref<10240xf32, #tpu.memory_space<vmem>>[vector<16xi32>], vector<16xf32>,
    %add3A_1047 = arith.addf %add3A_1041, %gather3A_1046 : vector<16xf32>
    %get3A_1048 = arith.constant 6 : i32
    %get3A_1049 = arith.index_cast %get3A_1048 : i32 to index
    %get3A_1050 = arith.constant 144 : index
    %get3A_1051 = tpu.vector_load %arg8[%get3A_1049, %get3A_1050] {strides = array<i32>} : memref<8x256xi32, #tpu.memory_space<vmem>>, vector<16xi32>,
    %gather3A_1052 = tpu.vector_load_idx %arg6[%get3A_1051] : memref<10240xf32, #tpu.memory_space<vmem>>[vector<16xi32>], vector<16xf32>,
    %add3A_1053 = arith.addf %add3A_1047, %gather3A_1052 : vector<16xf32>
    %get3A_1054 = arith.constant 7 : i32
    %get3A_1055 = arith.index_cast %get3A_1054 : i32 to index
    %get3A_1056 = arith.constant 144 : index
    %get3A_1057 = tpu.vector_load %arg8[%get3A_1055, %get3A_1056] {strides = array<i32>} : memref<8x256xi32, #tpu.memory_space<vmem>>, vector<16xi32>,
    %gather3A_1058 = tpu.vector_load_idx %arg6[%get3A_1057] : memref<10240xf32, #tpu.memory_space<vmem>>[vector<16xi32>], vector<16xf32>,
    %add3A_1059 = arith.addf %add3A_1053, %gather3A_1058 : vector<16xf32>
    %mul3A_1060 = arith.constant 1.250000e-01 : f32
    %mul3A_1061 = vector.broadcast %mul3A_1060 : f32 to vector<16xf32>
    %mul3A_1062 = arith.mulf %add3A_1059, %mul3A_1061 : vector<16xf32>
    %swap3A_1063 = arith.constant 144 : index
    %swap3A_1064 = tpu.vector_load %arg10[%swap3A_1063] {strides = array<i32>} : memref<256xf32, #tpu.memory_space<vmem>>, vector<16xf32>,
    tpu.vector_store %arg10[%swap3A_1063], %mul3A_1062 {strides = array<i32>} : memref<256xf32, #tpu.memory_space<vmem>>, vector<16xf32>,
    %broadcast_in_dim3A_1065 = arith.constant 0.000000e+00 : f32
    %broadcast_in_dim3A_1066 = vector.broadcast %broadcast_in_dim3A_1065 : f32 to vector<16xf32>
    %get3A_1067 = arith.constant 0 : i32
    %get3A_1068 = arith.index_cast %get3A_1067 : i32 to index
    %get3A_1069 = arith.constant 160 : index
    %get3A_1070 = tpu.vector_load %arg8[%get3A_1068, %get3A_1069] {strides = array<i32>} : memref<8x256xi32, #tpu.memory_space<vmem>>, vector<16xi32>,
    %gather3A_1071 = tpu.vector_load_idx %arg6[%get3A_1070] : memref<10240xf32, #tpu.memory_space<vmem>>[vector<16xi32>], vector<16xf32>,
    %add3A_1072 = arith.addf %broadcast_in_dim3A_1066, %gather3A_1071 : vector<16xf32>
    %get3A_1073 = arith.constant 1 : i32
    %get3A_1074 = arith.index_cast %get3A_1073 : i32 to index
    %get3A_1075 = arith.constant 160 : index
    %get3A_1076 = tpu.vector_load %arg8[%get3A_1074, %get3A_1075] {strides = array<i32>} : memref<8x256xi32, #tpu.memory_space<vmem>>, vector<16xi32>,
    %gather3A_1077 = tpu.vector_load_idx %arg6[%get3A_1076] : memref<10240xf32, #tpu.memory_space<vmem>>[vector<16xi32>], vector<16xf32>,
    %add3A_1078 = arith.addf %add3A_1072, %gather3A_1077 : vector<16xf32>
    %get3A_1079 = arith.constant 2 : i32
    %get3A_1080 = arith.index_cast %get3A_1079 : i32 to index
    %get3A_1081 = arith.constant 160 : index
    %get3A_1082 = tpu.vector_load %arg8[%get3A_1080, %get3A_1081] {strides = array<i32>} : memref<8x256xi32, #tpu.memory_space<vmem>>, vector<16xi32>,
    %gather3A_1083 = tpu.vector_load_idx %arg6[%get3A_1082] : memref<10240xf32, #tpu.memory_space<vmem>>[vector<16xi32>], vector<16xf32>,
    %add3A_1084 = arith.addf %add3A_1078, %gather3A_1083 : vector<16xf32>
    %get3A_1085 = arith.constant 3 : i32
    %get3A_1086 = arith.index_cast %get3A_1085 : i32 to index
    %get3A_1087 = arith.constant 160 : index
    %get3A_1088 = tpu.vector_load %arg8[%get3A_1086, %get3A_1087] {strides = array<i32>} : memref<8x256xi32, #tpu.memory_space<vmem>>, vector<16xi32>,
    %gather3A_1089 = tpu.vector_load_idx %arg6[%get3A_1088] : memref<10240xf32, #tpu.memory_space<vmem>>[vector<16xi32>], vector<16xf32>,
    %add3A_1090 = arith.addf %add3A_1084, %gather3A_1089 : vector<16xf32>
    %get3A_1091 = arith.constant 4 : i32
    %get3A_1092 = arith.index_cast %get3A_1091 : i32 to index
    %get3A_1093 = arith.constant 160 : index
    %get3A_1094 = tpu.vector_load %arg8[%get3A_1092, %get3A_1093] {strides = array<i32>} : memref<8x256xi32, #tpu.memory_space<vmem>>, vector<16xi32>,
    %gather3A_1095 = tpu.vector_load_idx %arg6[%get3A_1094] : memref<10240xf32, #tpu.memory_space<vmem>>[vector<16xi32>], vector<16xf32>,
    %add3A_1096 = arith.addf %add3A_1090, %gather3A_1095 : vector<16xf32>
    %get3A_1097 = arith.constant 5 : i32
    %get3A_1098 = arith.index_cast %get3A_1097 : i32 to index
    %get3A_1099 = arith.constant 160 : index
    %get3A_1100 = tpu.vector_load %arg8[%get3A_1098, %get3A_1099] {strides = array<i32>} : memref<8x256xi32, #tpu.memory_space<vmem>>, vector<16xi32>,
    %gather3A_1101 = tpu.vector_load_idx %arg6[%get3A_1100] : memref<10240xf32, #tpu.memory_space<vmem>>[vector<16xi32>], vector<16xf32>,
    %add3A_1102 = arith.addf %add3A_1096, %gather3A_1101 : vector<16xf32>
    %get3A_1103 = arith.constant 6 : i32
    %get3A_1104 = arith.index_cast %get3A_1103 : i32 to index
    %get3A_1105 = arith.constant 160 : index
    %get3A_1106 = tpu.vector_load %arg8[%get3A_1104, %get3A_1105] {strides = array<i32>} : memref<8x256xi32, #tpu.memory_space<vmem>>, vector<16xi32>,
    %gather3A_1107 = tpu.vector_load_idx %arg6[%get3A_1106] : memref<10240xf32, #tpu.memory_space<vmem>>[vector<16xi32>], vector<16xf32>,
    %add3A_1108 = arith.addf %add3A_1102, %gather3A_1107 : vector<16xf32>
    %get3A_1109 = arith.constant 7 : i32
    %get3A_1110 = arith.index_cast %get3A_1109 : i32 to index
    %get3A_1111 = arith.constant 160 : index
    %get3A_1112 = tpu.vector_load %arg8[%get3A_1110, %get3A_1111] {strides = array<i32>} : memref<8x256xi32, #tpu.memory_space<vmem>>, vector<16xi32>,
    %gather3A_1113 = tpu.vector_load_idx %arg6[%get3A_1112] : memref<10240xf32, #tpu.memory_space<vmem>>[vector<16xi32>], vector<16xf32>,
    %add3A_1114 = arith.addf %add3A_1108, %gather3A_1113 : vector<16xf32>
    %mul3A_1115 = arith.constant 1.250000e-01 : f32
    %mul3A_1116 = vector.broadcast %mul3A_1115 : f32 to vector<16xf32>
    %mul3A_1117 = arith.mulf %add3A_1114, %mul3A_1116 : vector<16xf32>
    %swap3A_1118 = arith.constant 160 : index
    %swap3A_1119 = tpu.vector_load %arg10[%swap3A_1118] {strides = array<i32>} : memref<256xf32, #tpu.memory_space<vmem>>, vector<16xf32>,
    tpu.vector_store %arg10[%swap3A_1118], %mul3A_1117 {strides = array<i32>} : memref<256xf32, #tpu.memory_space<vmem>>, vector<16xf32>,
    %broadcast_in_dim3A_1120 = arith.constant 0.000000e+00 : f32
    %broadcast_in_dim3A_1121 = vector.broadcast %broadcast_in_dim3A_1120 : f32 to vector<16xf32>
    %get3A_1122 = arith.constant 0 : i32
    %get3A_1123 = arith.index_cast %get3A_1122 : i32 to index
    %get3A_1124 = arith.constant 176 : index
    %get3A_1125 = tpu.vector_load %arg8[%get3A_1123, %get3A_1124] {strides = array<i32>} : memref<8x256xi32, #tpu.memory_space<vmem>>, vector<16xi32>,
    %gather3A_1126 = tpu.vector_load_idx %arg6[%get3A_1125] : memref<10240xf32, #tpu.memory_space<vmem>>[vector<16xi32>], vector<16xf32>,
    %add3A_1127 = arith.addf %broadcast_in_dim3A_1121, %gather3A_1126 : vector<16xf32>
    %get3A_1128 = arith.constant 1 : i32
    %get3A_1129 = arith.index_cast %get3A_1128 : i32 to index
    %get3A_1130 = arith.constant 176 : index
    %get3A_1131 = tpu.vector_load %arg8[%get3A_1129, %get3A_1130] {strides = array<i32>} : memref<8x256xi32, #tpu.memory_space<vmem>>, vector<16xi32>,
    %gather3A_1132 = tpu.vector_load_idx %arg6[%get3A_1131] : memref<10240xf32, #tpu.memory_space<vmem>>[vector<16xi32>], vector<16xf32>,
    %add3A_1133 = arith.addf %add3A_1127, %gather3A_1132 : vector<16xf32>
    %get3A_1134 = arith.constant 2 : i32
    %get3A_1135 = arith.index_cast %get3A_1134 : i32 to index
    %get3A_1136 = arith.constant 176 : index
    %get3A_1137 = tpu.vector_load %arg8[%get3A_1135, %get3A_1136] {strides = array<i32>} : memref<8x256xi32, #tpu.memory_space<vmem>>, vector<16xi32>,
    %gather3A_1138 = tpu.vector_load_idx %arg6[%get3A_1137] : memref<10240xf32, #tpu.memory_space<vmem>>[vector<16xi32>], vector<16xf32>,
    %add3A_1139 = arith.addf %add3A_1133, %gather3A_1138 : vector<16xf32>
    %get3A_1140 = arith.constant 3 : i32
    %get3A_1141 = arith.index_cast %get3A_1140 : i32 to index
    %get3A_1142 = arith.constant 176 : index
    %get3A_1143 = tpu.vector_load %arg8[%get3A_1141, %get3A_1142] {strides = array<i32>} : memref<8x256xi32, #tpu.memory_space<vmem>>, vector<16xi32>,
    %gather3A_1144 = tpu.vector_load_idx %arg6[%get3A_1143] : memref<10240xf32, #tpu.memory_space<vmem>>[vector<16xi32>], vector<16xf32>,
    %add3A_1145 = arith.addf %add3A_1139, %gather3A_1144 : vector<16xf32>
    %get3A_1146 = arith.constant 4 : i32
    %get3A_1147 = arith.index_cast %get3A_1146 : i32 to index
    %get3A_1148 = arith.constant 176 : index
    %get3A_1149 = tpu.vector_load %arg8[%get3A_1147, %get3A_1148] {strides = array<i32>} : memref<8x256xi32, #tpu.memory_space<vmem>>, vector<16xi32>,
    %gather3A_1150 = tpu.vector_load_idx %arg6[%get3A_1149] : memref<10240xf32, #tpu.memory_space<vmem>>[vector<16xi32>], vector<16xf32>,
    %add3A_1151 = arith.addf %add3A_1145, %gather3A_1150 : vector<16xf32>
    %get3A_1152 = arith.constant 5 : i32
    %get3A_1153 = arith.index_cast %get3A_1152 : i32 to index
    %get3A_1154 = arith.constant 176 : index
    %get3A_1155 = tpu.vector_load %arg8[%get3A_1153, %get3A_1154] {strides = array<i32>} : memref<8x256xi32, #tpu.memory_space<vmem>>, vector<16xi32>,
    %gather3A_1156 = tpu.vector_load_idx %arg6[%get3A_1155] : memref<10240xf32, #tpu.memory_space<vmem>>[vector<16xi32>], vector<16xf32>,
    %add3A_1157 = arith.addf %add3A_1151, %gather3A_1156 : vector<16xf32>
    %get3A_1158 = arith.constant 6 : i32
    %get3A_1159 = arith.index_cast %get3A_1158 : i32 to index
    %get3A_1160 = arith.constant 176 : index
    %get3A_1161 = tpu.vector_load %arg8[%get3A_1159, %get3A_1160] {strides = array<i32>} : memref<8x256xi32, #tpu.memory_space<vmem>>, vector<16xi32>,
    %gather3A_1162 = tpu.vector_load_idx %arg6[%get3A_1161] : memref<10240xf32, #tpu.memory_space<vmem>>[vector<16xi32>], vector<16xf32>,
    %add3A_1163 = arith.addf %add3A_1157, %gather3A_1162 : vector<16xf32>
    %get3A_1164 = arith.constant 7 : i32
    %get3A_1165 = arith.index_cast %get3A_1164 : i32 to index
    %get3A_1166 = arith.constant 176 : index
    %get3A_1167 = tpu.vector_load %arg8[%get3A_1165, %get3A_1166] {strides = array<i32>} : memref<8x256xi32, #tpu.memory_space<vmem>>, vector<16xi32>,
    %gather3A_1168 = tpu.vector_load_idx %arg6[%get3A_1167] : memref<10240xf32, #tpu.memory_space<vmem>>[vector<16xi32>], vector<16xf32>,
    %add3A_1169 = arith.addf %add3A_1163, %gather3A_1168 : vector<16xf32>
    %mul3A_1170 = arith.constant 1.250000e-01 : f32
    %mul3A_1171 = vector.broadcast %mul3A_1170 : f32 to vector<16xf32>
    %mul3A_1172 = arith.mulf %add3A_1169, %mul3A_1171 : vector<16xf32>
    %swap3A_1173 = arith.constant 176 : index
    %swap3A_1174 = tpu.vector_load %arg10[%swap3A_1173] {strides = array<i32>} : memref<256xf32, #tpu.memory_space<vmem>>, vector<16xf32>,
    tpu.vector_store %arg10[%swap3A_1173], %mul3A_1172 {strides = array<i32>} : memref<256xf32, #tpu.memory_space<vmem>>, vector<16xf32>,
    %broadcast_in_dim3A_1175 = arith.constant 0.000000e+00 : f32
    %broadcast_in_dim3A_1176 = vector.broadcast %broadcast_in_dim3A_1175 : f32 to vector<16xf32>
    %get3A_1177 = arith.constant 0 : i32
    %get3A_1178 = arith.index_cast %get3A_1177 : i32 to index
    %get3A_1179 = arith.constant 192 : index
    %get3A_1180 = tpu.vector_load %arg8[%get3A_1178, %get3A_1179] {strides = array<i32>} : memref<8x256xi32, #tpu.memory_space<vmem>>, vector<16xi32>,
    %gather3A_1181 = tpu.vector_load_idx %arg6[%get3A_1180] : memref<10240xf32, #tpu.memory_space<vmem>>[vector<16xi32>], vector<16xf32>,
    %add3A_1182 = arith.addf %broadcast_in_dim3A_1176, %gather3A_1181 : vector<16xf32>
    %get3A_1183 = arith.constant 1 : i32
    %get3A_1184 = arith.index_cast %get3A_1183 : i32 to index
    %get3A_1185 = arith.constant 192 : index
    %get3A_1186 = tpu.vector_load %arg8[%get3A_1184, %get3A_1185] {strides = array<i32>} : memref<8x256xi32, #tpu.memory_space<vmem>>, vector<16xi32>,
    %gather3A_1187 = tpu.vector_load_idx %arg6[%get3A_1186] : memref<10240xf32, #tpu.memory_space<vmem>>[vector<16xi32>], vector<16xf32>,
    %add3A_1188 = arith.addf %add3A_1182, %gather3A_1187 : vector<16xf32>
    %get3A_1189 = arith.constant 2 : i32
    %get3A_1190 = arith.index_cast %get3A_1189 : i32 to index
    %get3A_1191 = arith.constant 192 : index
    %get3A_1192 = tpu.vector_load %arg8[%get3A_1190, %get3A_1191] {strides = array<i32>} : memref<8x256xi32, #tpu.memory_space<vmem>>, vector<16xi32>,
    %gather3A_1193 = tpu.vector_load_idx %arg6[%get3A_1192] : memref<10240xf32, #tpu.memory_space<vmem>>[vector<16xi32>], vector<16xf32>,
    %add3A_1194 = arith.addf %add3A_1188, %gather3A_1193 : vector<16xf32>
    %get3A_1195 = arith.constant 3 : i32
    %get3A_1196 = arith.index_cast %get3A_1195 : i32 to index
    %get3A_1197 = arith.constant 192 : index
    %get3A_1198 = tpu.vector_load %arg8[%get3A_1196, %get3A_1197] {strides = array<i32>} : memref<8x256xi32, #tpu.memory_space<vmem>>, vector<16xi32>,
    %gather3A_1199 = tpu.vector_load_idx %arg6[%get3A_1198] : memref<10240xf32, #tpu.memory_space<vmem>>[vector<16xi32>], vector<16xf32>,
    %add3A_1200 = arith.addf %add3A_1194, %gather3A_1199 : vector<16xf32>
    %get3A_1201 = arith.constant 4 : i32
    %get3A_1202 = arith.index_cast %get3A_1201 : i32 to index
    %get3A_1203 = arith.constant 192 : index
    %get3A_1204 = tpu.vector_load %arg8[%get3A_1202, %get3A_1203] {strides = array<i32>} : memref<8x256xi32, #tpu.memory_space<vmem>>, vector<16xi32>,
    %gather3A_1205 = tpu.vector_load_idx %arg6[%get3A_1204] : memref<10240xf32, #tpu.memory_space<vmem>>[vector<16xi32>], vector<16xf32>,
    %add3A_1206 = arith.addf %add3A_1200, %gather3A_1205 : vector<16xf32>
    %get3A_1207 = arith.constant 5 : i32
    %get3A_1208 = arith.index_cast %get3A_1207 : i32 to index
    %get3A_1209 = arith.constant 192 : index
    %get3A_1210 = tpu.vector_load %arg8[%get3A_1208, %get3A_1209] {strides = array<i32>} : memref<8x256xi32, #tpu.memory_space<vmem>>, vector<16xi32>,
    %gather3A_1211 = tpu.vector_load_idx %arg6[%get3A_1210] : memref<10240xf32, #tpu.memory_space<vmem>>[vector<16xi32>], vector<16xf32>,
    %add3A_1212 = arith.addf %add3A_1206, %gather3A_1211 : vector<16xf32>
    %get3A_1213 = arith.constant 6 : i32
    %get3A_1214 = arith.index_cast %get3A_1213 : i32 to index
    %get3A_1215 = arith.constant 192 : index
    %get3A_1216 = tpu.vector_load %arg8[%get3A_1214, %get3A_1215] {strides = array<i32>} : memref<8x256xi32, #tpu.memory_space<vmem>>, vector<16xi32>,
    %gather3A_1217 = tpu.vector_load_idx %arg6[%get3A_1216] : memref<10240xf32, #tpu.memory_space<vmem>>[vector<16xi32>], vector<16xf32>,
    %add3A_1218 = arith.addf %add3A_1212, %gather3A_1217 : vector<16xf32>
    %get3A_1219 = arith.constant 7 : i32
    %get3A_1220 = arith.index_cast %get3A_1219 : i32 to index
    %get3A_1221 = arith.constant 192 : index
    %get3A_1222 = tpu.vector_load %arg8[%get3A_1220, %get3A_1221] {strides = array<i32>} : memref<8x256xi32, #tpu.memory_space<vmem>>, vector<16xi32>,
    %gather3A_1223 = tpu.vector_load_idx %arg6[%get3A_1222] : memref<10240xf32, #tpu.memory_space<vmem>>[vector<16xi32>], vector<16xf32>,
    %add3A_1224 = arith.addf %add3A_1218, %gather3A_1223 : vector<16xf32>
    %mul3A_1225 = arith.constant 1.250000e-01 : f32
    %mul3A_1226 = vector.broadcast %mul3A_1225 : f32 to vector<16xf32>
    %mul3A_1227 = arith.mulf %add3A_1224, %mul3A_1226 : vector<16xf32>
    %swap3A_1228 = arith.constant 192 : index
    %swap3A_1229 = tpu.vector_load %arg10[%swap3A_1228] {strides = array<i32>} : memref<256xf32, #tpu.memory_space<vmem>>, vector<16xf32>,
    tpu.vector_store %arg10[%swap3A_1228], %mul3A_1227 {strides = array<i32>} : memref<256xf32, #tpu.memory_space<vmem>>, vector<16xf32>,
    %broadcast_in_dim3A_1230 = arith.constant 0.000000e+00 : f32
    %broadcast_in_dim3A_1231 = vector.broadcast %broadcast_in_dim3A_1230 : f32 to vector<16xf32>
    %get3A_1232 = arith.constant 0 : i32
    %get3A_1233 = arith.index_cast %get3A_1232 : i32 to index
    %get3A_1234 = arith.constant 208 : index
    %get3A_1235 = tpu.vector_load %arg8[%get3A_1233, %get3A_1234] {strides = array<i32>} : memref<8x256xi32, #tpu.memory_space<vmem>>, vector<16xi32>,
    %gather3A_1236 = tpu.vector_load_idx %arg6[%get3A_1235] : memref<10240xf32, #tpu.memory_space<vmem>>[vector<16xi32>], vector<16xf32>,
    %add3A_1237 = arith.addf %broadcast_in_dim3A_1231, %gather3A_1236 : vector<16xf32>
    %get3A_1238 = arith.constant 1 : i32
    %get3A_1239 = arith.index_cast %get3A_1238 : i32 to index
    %get3A_1240 = arith.constant 208 : index
    %get3A_1241 = tpu.vector_load %arg8[%get3A_1239, %get3A_1240] {strides = array<i32>} : memref<8x256xi32, #tpu.memory_space<vmem>>, vector<16xi32>,
    %gather3A_1242 = tpu.vector_load_idx %arg6[%get3A_1241] : memref<10240xf32, #tpu.memory_space<vmem>>[vector<16xi32>], vector<16xf32>,
    %add3A_1243 = arith.addf %add3A_1237, %gather3A_1242 : vector<16xf32>
    %get3A_1244 = arith.constant 2 : i32
    %get3A_1245 = arith.index_cast %get3A_1244 : i32 to index
    %get3A_1246 = arith.constant 208 : index
    %get3A_1247 = tpu.vector_load %arg8[%get3A_1245, %get3A_1246] {strides = array<i32>} : memref<8x256xi32, #tpu.memory_space<vmem>>, vector<16xi32>,
    %gather3A_1248 = tpu.vector_load_idx %arg6[%get3A_1247] : memref<10240xf32, #tpu.memory_space<vmem>>[vector<16xi32>], vector<16xf32>,
    %add3A_1249 = arith.addf %add3A_1243, %gather3A_1248 : vector<16xf32>
    %get3A_1250 = arith.constant 3 : i32
    %get3A_1251 = arith.index_cast %get3A_1250 : i32 to index
    %get3A_1252 = arith.constant 208 : index
    %get3A_1253 = tpu.vector_load %arg8[%get3A_1251, %get3A_1252] {strides = array<i32>} : memref<8x256xi32, #tpu.memory_space<vmem>>, vector<16xi32>,
    %gather3A_1254 = tpu.vector_load_idx %arg6[%get3A_1253] : memref<10240xf32, #tpu.memory_space<vmem>>[vector<16xi32>], vector<16xf32>,
    %add3A_1255 = arith.addf %add3A_1249, %gather3A_1254 : vector<16xf32>
    %get3A_1256 = arith.constant 4 : i32
    %get3A_1257 = arith.index_cast %get3A_1256 : i32 to index
    %get3A_1258 = arith.constant 208 : index
    %get3A_1259 = tpu.vector_load %arg8[%get3A_1257, %get3A_1258] {strides = array<i32>} : memref<8x256xi32, #tpu.memory_space<vmem>>, vector<16xi32>,
    %gather3A_1260 = tpu.vector_load_idx %arg6[%get3A_1259] : memref<10240xf32, #tpu.memory_space<vmem>>[vector<16xi32>], vector<16xf32>,
    %add3A_1261 = arith.addf %add3A_1255, %gather3A_1260 : vector<16xf32>
    %get3A_1262 = arith.constant 5 : i32
    %get3A_1263 = arith.index_cast %get3A_1262 : i32 to index
    %get3A_1264 = arith.constant 208 : index
    %get3A_1265 = tpu.vector_load %arg8[%get3A_1263, %get3A_1264] {strides = array<i32>} : memref<8x256xi32, #tpu.memory_space<vmem>>, vector<16xi32>,
    %gather3A_1266 = tpu.vector_load_idx %arg6[%get3A_1265] : memref<10240xf32, #tpu.memory_space<vmem>>[vector<16xi32>], vector<16xf32>,
    %add3A_1267 = arith.addf %add3A_1261, %gather3A_1266 : vector<16xf32>
    %get3A_1268 = arith.constant 6 : i32
    %get3A_1269 = arith.index_cast %get3A_1268 : i32 to index
    %get3A_1270 = arith.constant 208 : index
    %get3A_1271 = tpu.vector_load %arg8[%get3A_1269, %get3A_1270] {strides = array<i32>} : memref<8x256xi32, #tpu.memory_space<vmem>>, vector<16xi32>,
    %gather3A_1272 = tpu.vector_load_idx %arg6[%get3A_1271] : memref<10240xf32, #tpu.memory_space<vmem>>[vector<16xi32>], vector<16xf32>,
    %add3A_1273 = arith.addf %add3A_1267, %gather3A_1272 : vector<16xf32>
    %get3A_1274 = arith.constant 7 : i32
    %get3A_1275 = arith.index_cast %get3A_1274 : i32 to index
    %get3A_1276 = arith.constant 208 : index
    %get3A_1277 = tpu.vector_load %arg8[%get3A_1275, %get3A_1276] {strides = array<i32>} : memref<8x256xi32, #tpu.memory_space<vmem>>, vector<16xi32>,
    %gather3A_1278 = tpu.vector_load_idx %arg6[%get3A_1277] : memref<10240xf32, #tpu.memory_space<vmem>>[vector<16xi32>], vector<16xf32>,
    %add3A_1279 = arith.addf %add3A_1273, %gather3A_1278 : vector<16xf32>
    %mul3A_1280 = arith.constant 1.250000e-01 : f32
    %mul3A_1281 = vector.broadcast %mul3A_1280 : f32 to vector<16xf32>
    %mul3A_1282 = arith.mulf %add3A_1279, %mul3A_1281 : vector<16xf32>
    %swap3A_1283 = arith.constant 208 : index
    %swap3A_1284 = tpu.vector_load %arg10[%swap3A_1283] {strides = array<i32>} : memref<256xf32, #tpu.memory_space<vmem>>, vector<16xf32>,
    tpu.vector_store %arg10[%swap3A_1283], %mul3A_1282 {strides = array<i32>} : memref<256xf32, #tpu.memory_space<vmem>>, vector<16xf32>,
    %broadcast_in_dim3A_1285 = arith.constant 0.000000e+00 : f32
    %broadcast_in_dim3A_1286 = vector.broadcast %broadcast_in_dim3A_1285 : f32 to vector<16xf32>
    %get3A_1287 = arith.constant 0 : i32
    %get3A_1288 = arith.index_cast %get3A_1287 : i32 to index
    %get3A_1289 = arith.constant 224 : index
    %get3A_1290 = tpu.vector_load %arg8[%get3A_1288, %get3A_1289] {strides = array<i32>} : memref<8x256xi32, #tpu.memory_space<vmem>>, vector<16xi32>,
    %gather3A_1291 = tpu.vector_load_idx %arg6[%get3A_1290] : memref<10240xf32, #tpu.memory_space<vmem>>[vector<16xi32>], vector<16xf32>,
    %add3A_1292 = arith.addf %broadcast_in_dim3A_1286, %gather3A_1291 : vector<16xf32>
    %get3A_1293 = arith.constant 1 : i32
    %get3A_1294 = arith.index_cast %get3A_1293 : i32 to index
    %get3A_1295 = arith.constant 224 : index
    %get3A_1296 = tpu.vector_load %arg8[%get3A_1294, %get3A_1295] {strides = array<i32>} : memref<8x256xi32, #tpu.memory_space<vmem>>, vector<16xi32>,
    %gather3A_1297 = tpu.vector_load_idx %arg6[%get3A_1296] : memref<10240xf32, #tpu.memory_space<vmem>>[vector<16xi32>], vector<16xf32>,
    %add3A_1298 = arith.addf %add3A_1292, %gather3A_1297 : vector<16xf32>
    %get3A_1299 = arith.constant 2 : i32
    %get3A_1300 = arith.index_cast %get3A_1299 : i32 to index
    %get3A_1301 = arith.constant 224 : index
    %get3A_1302 = tpu.vector_load %arg8[%get3A_1300, %get3A_1301] {strides = array<i32>} : memref<8x256xi32, #tpu.memory_space<vmem>>, vector<16xi32>,
    %gather3A_1303 = tpu.vector_load_idx %arg6[%get3A_1302] : memref<10240xf32, #tpu.memory_space<vmem>>[vector<16xi32>], vector<16xf32>,
    %add3A_1304 = arith.addf %add3A_1298, %gather3A_1303 : vector<16xf32>
    %get3A_1305 = arith.constant 3 : i32
    %get3A_1306 = arith.index_cast %get3A_1305 : i32 to index
    %get3A_1307 = arith.constant 224 : index
    %get3A_1308 = tpu.vector_load %arg8[%get3A_1306, %get3A_1307] {strides = array<i32>} : memref<8x256xi32, #tpu.memory_space<vmem>>, vector<16xi32>,
    %gather3A_1309 = tpu.vector_load_idx %arg6[%get3A_1308] : memref<10240xf32, #tpu.memory_space<vmem>>[vector<16xi32>], vector<16xf32>,
    %add3A_1310 = arith.addf %add3A_1304, %gather3A_1309 : vector<16xf32>
    %get3A_1311 = arith.constant 4 : i32
    %get3A_1312 = arith.index_cast %get3A_1311 : i32 to index
    %get3A_1313 = arith.constant 224 : index
    %get3A_1314 = tpu.vector_load %arg8[%get3A_1312, %get3A_1313] {strides = array<i32>} : memref<8x256xi32, #tpu.memory_space<vmem>>, vector<16xi32>,
    %gather3A_1315 = tpu.vector_load_idx %arg6[%get3A_1314] : memref<10240xf32, #tpu.memory_space<vmem>>[vector<16xi32>], vector<16xf32>,
    %add3A_1316 = arith.addf %add3A_1310, %gather3A_1315 : vector<16xf32>
    %get3A_1317 = arith.constant 5 : i32
    %get3A_1318 = arith.index_cast %get3A_1317 : i32 to index
    %get3A_1319 = arith.constant 224 : index
    %get3A_1320 = tpu.vector_load %arg8[%get3A_1318, %get3A_1319] {strides = array<i32>} : memref<8x256xi32, #tpu.memory_space<vmem>>, vector<16xi32>,
    %gather3A_1321 = tpu.vector_load_idx %arg6[%get3A_1320] : memref<10240xf32, #tpu.memory_space<vmem>>[vector<16xi32>], vector<16xf32>,
    %add3A_1322 = arith.addf %add3A_1316, %gather3A_1321 : vector<16xf32>
    %get3A_1323 = arith.constant 6 : i32
    %get3A_1324 = arith.index_cast %get3A_1323 : i32 to index
    %get3A_1325 = arith.constant 224 : index
    %get3A_1326 = tpu.vector_load %arg8[%get3A_1324, %get3A_1325] {strides = array<i32>} : memref<8x256xi32, #tpu.memory_space<vmem>>, vector<16xi32>,
    %gather3A_1327 = tpu.vector_load_idx %arg6[%get3A_1326] : memref<10240xf32, #tpu.memory_space<vmem>>[vector<16xi32>], vector<16xf32>,
    %add3A_1328 = arith.addf %add3A_1322, %gather3A_1327 : vector<16xf32>
    %get3A_1329 = arith.constant 7 : i32
    %get3A_1330 = arith.index_cast %get3A_1329 : i32 to index
    %get3A_1331 = arith.constant 224 : index
    %get3A_1332 = tpu.vector_load %arg8[%get3A_1330, %get3A_1331] {strides = array<i32>} : memref<8x256xi32, #tpu.memory_space<vmem>>, vector<16xi32>,
    %gather3A_1333 = tpu.vector_load_idx %arg6[%get3A_1332] : memref<10240xf32, #tpu.memory_space<vmem>>[vector<16xi32>], vector<16xf32>,
    %add3A_1334 = arith.addf %add3A_1328, %gather3A_1333 : vector<16xf32>
    %mul3A_1335 = arith.constant 1.250000e-01 : f32
    %mul3A_1336 = vector.broadcast %mul3A_1335 : f32 to vector<16xf32>
    %mul3A_1337 = arith.mulf %add3A_1334, %mul3A_1336 : vector<16xf32>
    %swap3A_1338 = arith.constant 224 : index
    %swap3A_1339 = tpu.vector_load %arg10[%swap3A_1338] {strides = array<i32>} : memref<256xf32, #tpu.memory_space<vmem>>, vector<16xf32>,
    tpu.vector_store %arg10[%swap3A_1338], %mul3A_1337 {strides = array<i32>} : memref<256xf32, #tpu.memory_space<vmem>>, vector<16xf32>,
    %broadcast_in_dim3A_1340 = arith.constant 0.000000e+00 : f32
    %broadcast_in_dim3A_1341 = vector.broadcast %broadcast_in_dim3A_1340 : f32 to vector<16xf32>
    %get3A_1342 = arith.constant 0 : i32
    %get3A_1343 = arith.index_cast %get3A_1342 : i32 to index
    %get3A_1344 = arith.constant 240 : index
    %get3A_1345 = tpu.vector_load %arg8[%get3A_1343, %get3A_1344] {strides = array<i32>} : memref<8x256xi32, #tpu.memory_space<vmem>>, vector<16xi32>,
    %gather3A_1346 = tpu.vector_load_idx %arg6[%get3A_1345] : memref<10240xf32, #tpu.memory_space<vmem>>[vector<16xi32>], vector<16xf32>,
    %add3A_1347 = arith.addf %broadcast_in_dim3A_1341, %gather3A_1346 : vector<16xf32>
    %get3A_1348 = arith.constant 1 : i32
    %get3A_1349 = arith.index_cast %get3A_1348 : i32 to index
    %get3A_1350 = arith.constant 240 : index
    %get3A_1351 = tpu.vector_load %arg8[%get3A_1349, %get3A_1350] {strides = array<i32>} : memref<8x256xi32, #tpu.memory_space<vmem>>, vector<16xi32>,
    %gather3A_1352 = tpu.vector_load_idx %arg6[%get3A_1351] : memref<10240xf32, #tpu.memory_space<vmem>>[vector<16xi32>], vector<16xf32>,
    %add3A_1353 = arith.addf %add3A_1347, %gather3A_1352 : vector<16xf32>
    %get3A_1354 = arith.constant 2 : i32
    %get3A_1355 = arith.index_cast %get3A_1354 : i32 to index
    %get3A_1356 = arith.constant 240 : index
    %get3A_1357 = tpu.vector_load %arg8[%get3A_1355, %get3A_1356] {strides = array<i32>} : memref<8x256xi32, #tpu.memory_space<vmem>>, vector<16xi32>,
    %gather3A_1358 = tpu.vector_load_idx %arg6[%get3A_1357] : memref<10240xf32, #tpu.memory_space<vmem>>[vector<16xi32>], vector<16xf32>,
    %add3A_1359 = arith.addf %add3A_1353, %gather3A_1358 : vector<16xf32>
    %get3A_1360 = arith.constant 3 : i32
    %get3A_1361 = arith.index_cast %get3A_1360 : i32 to index
    %get3A_1362 = arith.constant 240 : index
    %get3A_1363 = tpu.vector_load %arg8[%get3A_1361, %get3A_1362] {strides = array<i32>} : memref<8x256xi32, #tpu.memory_space<vmem>>, vector<16xi32>,
    %gather3A_1364 = tpu.vector_load_idx %arg6[%get3A_1363] : memref<10240xf32, #tpu.memory_space<vmem>>[vector<16xi32>], vector<16xf32>,
    %add3A_1365 = arith.addf %add3A_1359, %gather3A_1364 : vector<16xf32>
    %get3A_1366 = arith.constant 4 : i32
    %get3A_1367 = arith.index_cast %get3A_1366 : i32 to index
    %get3A_1368 = arith.constant 240 : index
    %get3A_1369 = tpu.vector_load %arg8[%get3A_1367, %get3A_1368] {strides = array<i32>} : memref<8x256xi32, #tpu.memory_space<vmem>>, vector<16xi32>,
    %gather3A_1370 = tpu.vector_load_idx %arg6[%get3A_1369] : memref<10240xf32, #tpu.memory_space<vmem>>[vector<16xi32>], vector<16xf32>,
    %add3A_1371 = arith.addf %add3A_1365, %gather3A_1370 : vector<16xf32>
    %get3A_1372 = arith.constant 5 : i32
    %get3A_1373 = arith.index_cast %get3A_1372 : i32 to index
    %get3A_1374 = arith.constant 240 : index
    %get3A_1375 = tpu.vector_load %arg8[%get3A_1373, %get3A_1374] {strides = array<i32>} : memref<8x256xi32, #tpu.memory_space<vmem>>, vector<16xi32>,
    %gather3A_1376 = tpu.vector_load_idx %arg6[%get3A_1375] : memref<10240xf32, #tpu.memory_space<vmem>>[vector<16xi32>], vector<16xf32>,
    %add3A_1377 = arith.addf %add3A_1371, %gather3A_1376 : vector<16xf32>
    %get3A_1378 = arith.constant 6 : i32
    %get3A_1379 = arith.index_cast %get3A_1378 : i32 to index
    %get3A_1380 = arith.constant 240 : index
    %get3A_1381 = tpu.vector_load %arg8[%get3A_1379, %get3A_1380] {strides = array<i32>} : memref<8x256xi32, #tpu.memory_space<vmem>>, vector<16xi32>,
    %gather3A_1382 = tpu.vector_load_idx %arg6[%get3A_1381] : memref<10240xf32, #tpu.memory_space<vmem>>[vector<16xi32>], vector<16xf32>,
    %add3A_1383 = arith.addf %add3A_1377, %gather3A_1382 : vector<16xf32>
    %get3A_1384 = arith.constant 7 : i32
    %get3A_1385 = arith.index_cast %get3A_1384 : i32 to index
    %get3A_1386 = arith.constant 240 : index
    %get3A_1387 = tpu.vector_load %arg8[%get3A_1385, %get3A_1386] {strides = array<i32>} : memref<8x256xi32, #tpu.memory_space<vmem>>, vector<16xi32>,
    %gather3A_1388 = tpu.vector_load_idx %arg6[%get3A_1387] : memref<10240xf32, #tpu.memory_space<vmem>>[vector<16xi32>], vector<16xf32>,
    %add3A_1389 = arith.addf %add3A_1383, %gather3A_1388 : vector<16xf32>
    %mul3A_1390 = arith.constant 1.250000e-01 : f32
    %mul3A_1391 = vector.broadcast %mul3A_1390 : f32 to vector<16xf32>
    %mul3A_1392 = arith.mulf %add3A_1389, %mul3A_1391 : vector<16xf32>
    %swap3A_1393 = arith.constant 240 : index
    %swap3A_1394 = tpu.vector_load %arg10[%swap3A_1393] {strides = array<i32>} : memref<256xf32, #tpu.memory_space<vmem>>, vector<16xf32>,
    tpu.vector_store %arg10[%swap3A_1393], %mul3A_1392 {strides = array<i32>} : memref<256xf32, #tpu.memory_space<vmem>>, vector<16xf32>,
    %mul3A_1395 = arith.constant 256 : i32
    %mul3A_1396 = arith.muli %add3A, %mul3A_1395 : i32
    %add3A_1397 = arith.constant 8192 : i32
    %add3A_1398 = arith.addi %add3A_1397, %mul3A_1396 : i32
    "tpu.region"() ({
      %run_scoped3A = tpu.sem_alloc : memref<!tpu.dma_semaphore, #tpu.memory_space<semaphore_mem>>
      %dma_start3A_1401 = tpu.memref_slice %arg5[%add3A_1398] : memref<16384xf32, #tpu.memory_space<hbm>> -> memref<256xf32, #tpu.memory_space<hbm>>
      %dma_start3A_1402 = tpu.memref_slice %arg5[%add3A_1398] : memref<16384xf32, #tpu.memory_space<hbm>> -> memref<256xf32, #tpu.memory_space<hbm>>
      tpu.enqueue_dma source(%arg10 : memref<256xf32, #tpu.memory_space<vmem>>) target(%dma_start3A_1402 : memref<256xf32, #tpu.memory_space<hbm>>) target_semaphore(%run_scoped3A : memref<!tpu.dma_semaphore, #tpu.memory_space<semaphore_mem>>)
      %dma_wait3A_1403 = tpu.memref_slice %arg5[%add3A_1398] : memref<16384xf32, #tpu.memory_space<hbm>> -> memref<256xf32, #tpu.memory_space<hbm>>
      %dma_wait3A_1404 = tpu.memref_slice %arg5[%add3A_1398] : memref<16384xf32, #tpu.memory_space<hbm>> -> memref<256xf32, #tpu.memory_space<hbm>>
      tpu.wait_dma2 semaphore(%run_scoped3A : memref<!tpu.dma_semaphore, #tpu.memory_space<semaphore_mem>>) src(%arg10 : memref<256xf32, #tpu.memory_space<vmem>>) dst(%dma_wait3A_1404 : memref<256xf32, #tpu.memory_space<hbm>>)
      tpu.yield
    }) : () -> ()
    %dma_wait3A_1399 = tpu.memref_slice %arg5[%mul3A_508] : memref<16384xf32, #tpu.memory_space<hbm>> -> memref<256xf32, #tpu.memory_space<hbm>>
    %dma_wait3A_1400 = tpu.memref_slice %arg5[%mul3A_508] : memref<16384xf32, #tpu.memory_space<hbm>> -> memref<256xf32, #tpu.memory_space<hbm>>
    tpu.wait_dma2 semaphore(%arg11 : memref<!tpu.dma_semaphore, #tpu.memory_space<semaphore_mem>>) src(%arg9 : memref<256xf32, #tpu.memory_space<vmem>>) dst(%dma_wait3A_1400 : memref<256xf32, #tpu.memory_space<hbm>>)
    return
  }
}

module attributes {stable_mosaic.version = 14 : i64} {
  func.func @_node_scalar_body(%arg0: i32, %arg1: memref<2560x512xf32, #tpu.memory_space<vmem>>, %arg2: memref<512x512xf32, #tpu.memory_space<vmem>>, %arg3: memref<1x512xf32, #tpu.memory_space<vmem>>, %arg4: memref<512x512xf32, #tpu.memory_space<vmem>>, %arg5: memref<1x512xf32, #tpu.memory_space<vmem>>, %arg6: memref<512x512xf32, #tpu.memory_space<vmem>>, %arg7: memref<1x512xf32, #tpu.memory_space<vmem>>, %arg8: memref<512x1xf32, #tpu.memory_space<vmem>>, %arg9: memref<1x1xf32, #tpu.memory_space<vmem>>, %arg10: memref<10240xf32, #tpu.memory_space<vmem>>) attributes {dimension_semantics = [#tpu.dimension_semantics<arbitrary>], iteration_bounds = array<i64: 4>, scalar_prefetch = 0 : i64, scratch_operands = 0 : i64, tpu.core_type = #tpu.core_type<tc>, window_params = [{transform_indices = @transform_0, window_bounds = array<i64: 2560, 512>}, {pipeline_mode = #tpu.pipeline_mode<synchronous>, transform_indices = @transform_1, window_bounds = array<i64: 512, 512>}, {pipeline_mode = #tpu.pipeline_mode<synchronous>, transform_indices = @transform_2, window_bounds = array<i64: 1, 512>}, {pipeline_mode = #tpu.pipeline_mode<synchronous>, transform_indices = @transform_3, window_bounds = array<i64: 512, 512>}, {pipeline_mode = #tpu.pipeline_mode<synchronous>, transform_indices = @transform_4, window_bounds = array<i64: 1, 512>}, {pipeline_mode = #tpu.pipeline_mode<synchronous>, transform_indices = @transform_5, window_bounds = array<i64: 512, 512>}, {pipeline_mode = #tpu.pipeline_mode<synchronous>, transform_indices = @transform_6, window_bounds = array<i64: 1, 512>}, {pipeline_mode = #tpu.pipeline_mode<synchronous>, transform_indices = @transform_7, window_bounds = array<i64: 512, 1>}, {pipeline_mode = #tpu.pipeline_mode<synchronous>, transform_indices = @transform_8, window_bounds = array<i64: 1, 1>}, {pipeline_mode = #tpu.pipeline_mode<synchronous>, transform_indices = @transform_9, window_bounds = array<i64: 10240>}]} {
    %get3A = arith.constant 0 : index
    %get3A_0 = arith.constant 0 : index
    %get3A_1 = vector.load %arg1[%get3A, %get3A_0] : memref<2560x512xf32, #tpu.memory_space<vmem>>, vector<2560x512xf32>
    %get3A_2 = arith.constant 0 : index
    %get3A_3 = arith.constant 0 : index
    %get3A_4 = vector.load %arg2[%get3A_2, %get3A_3] : memref<512x512xf32, #tpu.memory_space<vmem>>, vector<512x512xf32>
    %dot_general3A = arith.constant dense<0.000000e+00> : vector<2560x512xf32>
    %dot_general3A_5 = tpu.matmul %get3A_1, %get3A_4, %dot_general3A {dimension_numbers = #tpu.dot_dimension_numbers<[1], [0], [0], [1], [0, 0, 1, 1], [], []>, transpose_lhs_hint = false} : vector<2560x512xf32>, vector<512x512xf32>, vector<2560x512xf32> -> vector<2560x512xf32>
    %get3A_6 = arith.constant 0 : index
    %get3A_7 = arith.constant 0 : index
    %get3A_8 = vector.load %arg3[%get3A_6, %get3A_7] : memref<1x512xf32, #tpu.memory_space<vmem>>, vector<1x512xf32>
    %add3A = vector.broadcast %get3A_8 : vector<1x512xf32> to vector<2560x512xf32>
    %add3A_9 = arith.addf %dot_general3A_5, %add3A : vector<2560x512xf32>
    %max3A = arith.constant 0.000000e+00 : f32
    %max3A_10 = vector.broadcast %max3A : f32 to vector<2560x512xf32>
    %max3A_11 = arith.maximumf %add3A_9, %max3A_10 : vector<2560x512xf32>
    %get3A_12 = arith.constant 0 : index
    %get3A_13 = arith.constant 0 : index
    %get3A_14 = vector.load %arg4[%get3A_12, %get3A_13] : memref<512x512xf32, #tpu.memory_space<vmem>>, vector<512x512xf32>
    %dot_general3A_15 = arith.constant dense<0.000000e+00> : vector<2560x512xf32>
    %dot_general3A_16 = tpu.matmul %max3A_11, %get3A_14, %dot_general3A_15 {dimension_numbers = #tpu.dot_dimension_numbers<[1], [0], [0], [1], [0, 0, 1, 1], [], []>, transpose_lhs_hint = false} : vector<2560x512xf32>, vector<512x512xf32>, vector<2560x512xf32> -> vector<2560x512xf32>
    %get3A_17 = arith.constant 0 : index
    %get3A_18 = arith.constant 0 : index
    %get3A_19 = vector.load %arg5[%get3A_17, %get3A_18] : memref<1x512xf32, #tpu.memory_space<vmem>>, vector<1x512xf32>
    %add3A_20 = vector.broadcast %get3A_19 : vector<1x512xf32> to vector<2560x512xf32>
    %add3A_21 = arith.addf %dot_general3A_16, %add3A_20 : vector<2560x512xf32>
    %get3A_22 = arith.constant 0 : index
    %get3A_23 = arith.constant 0 : index
    %get3A_24 = vector.load %arg6[%get3A_22, %get3A_23] : memref<512x512xf32, #tpu.memory_space<vmem>>, vector<512x512xf32>
    %dot_general3A_25 = arith.constant dense<0.000000e+00> : vector<2560x512xf32>
    %dot_general3A_26 = tpu.matmul %add3A_21, %get3A_24, %dot_general3A_25 {dimension_numbers = #tpu.dot_dimension_numbers<[1], [0], [0], [1], [0, 0, 1, 1], [], []>, transpose_lhs_hint = false} : vector<2560x512xf32>, vector<512x512xf32>, vector<2560x512xf32> -> vector<2560x512xf32>
    %get3A_27 = arith.constant 0 : index
    %get3A_28 = arith.constant 0 : index
    %get3A_29 = vector.load %arg7[%get3A_27, %get3A_28] : memref<1x512xf32, #tpu.memory_space<vmem>>, vector<1x512xf32>
    %add3A_30 = vector.broadcast %get3A_29 : vector<1x512xf32> to vector<2560x512xf32>
    %add3A_31 = arith.addf %dot_general3A_26, %add3A_30 : vector<2560x512xf32>
    %max3A_32 = arith.constant 0.000000e+00 : f32
    %max3A_33 = vector.broadcast %max3A_32 : f32 to vector<2560x512xf32>
    %max3A_34 = arith.maximumf %add3A_31, %max3A_33 : vector<2560x512xf32>
    %get3A_35 = arith.constant 0 : index
    %get3A_36 = arith.constant 0 : index
    %get3A_37 = vector.load %arg8[%get3A_35, %get3A_36] : memref<512x1xf32, #tpu.memory_space<vmem>>, vector<512x1xf32>
    %dot_general3A_38 = arith.constant dense<0.000000e+00> : vector<2560x1xf32>
    %dot_general3A_39 = tpu.matmul %max3A_34, %get3A_37, %dot_general3A_38 {dimension_numbers = #tpu.dot_dimension_numbers<[1], [0], [0], [1], [0, 0, 1, 1], [], []>, transpose_lhs_hint = false} : vector<2560x512xf32>, vector<512x1xf32>, vector<2560x1xf32> -> vector<2560x1xf32>
    %get3A_40 = arith.constant 0 : index
    %get3A_41 = arith.constant 0 : index
    %get3A_42 = vector.load %arg9[%get3A_40, %get3A_41] : memref<1x1xf32, #tpu.memory_space<vmem>>, vector<1x1xf32>
    %get3A_43 = vector.extract %get3A_42[0, 0] : f32 from vector<1x1xf32>
    %add3A_44 = vector.broadcast %get3A_43 : f32 to vector<2560x1xf32>
    %add3A_45 = arith.addf %dot_general3A_39, %add3A_44 : vector<2560x1xf32>
    %squeeze3A = vector.shape_cast %add3A_45 : vector<2560x1xf32> to vector<2560xf32>
    %mul3A = arith.constant 2560 : i32
    %mul3A_46 = arith.muli %arg0, %mul3A : i32
    %swap3A = arith.index_cast %mul3A_46 : i32 to index
    %swap3A_47 = vector.load %arg10[%swap3A] : memref<10240xf32, #tpu.memory_space<vmem>>, vector<2560xf32>
    tpu.vector_store %arg10[%swap3A], %squeeze3A {strides = array<i32>} : memref<10240xf32, #tpu.memory_space<vmem>>, vector<2560xf32>,
    return
  }
  func.func @transform_0(%arg0: i32) -> (i32, i32) {
    %c0_i32 = arith.constant 0 : i32
    %c0_i32_0 = arith.constant 0 : i32
    return %arg0, %c0_i32 : i32, i32
  }
  func.func @transform_1(%arg0: i32) -> (i32, i32) {
    %c0_i32 = arith.constant 0 : i32
    %c0_i32_0 = arith.constant 0 : i32
    %c0_i32_1 = arith.constant 0 : i32
    return %c0_i32, %c0_i32_0 : i32, i32
  }
  func.func @transform_2(%arg0: i32) -> (i32, i32) {
    %c0_i32 = arith.constant 0 : i32
    %c0_i32_0 = arith.constant 0 : i32
    %c0_i32_1 = arith.constant 0 : i32
    return %c0_i32, %c0_i32_0 : i32, i32
  }
  func.func @transform_3(%arg0: i32) -> (i32, i32) {
    %c0_i32 = arith.constant 0 : i32
    %c0_i32_0 = arith.constant 0 : i32
    %c0_i32_1 = arith.constant 0 : i32
    return %c0_i32, %c0_i32_0 : i32, i32
  }
  func.func @transform_4(%arg0: i32) -> (i32, i32) {
    %c0_i32 = arith.constant 0 : i32
    %c0_i32_0 = arith.constant 0 : i32
    %c0_i32_1 = arith.constant 0 : i32
    return %c0_i32, %c0_i32_0 : i32, i32
  }
  func.func @transform_5(%arg0: i32) -> (i32, i32) {
    %c0_i32 = arith.constant 0 : i32
    %c0_i32_0 = arith.constant 0 : i32
    %c0_i32_1 = arith.constant 0 : i32
    return %c0_i32, %c0_i32_0 : i32, i32
  }
  func.func @transform_6(%arg0: i32) -> (i32, i32) {
    %c0_i32 = arith.constant 0 : i32
    %c0_i32_0 = arith.constant 0 : i32
    %c0_i32_1 = arith.constant 0 : i32
    return %c0_i32, %c0_i32_0 : i32, i32
  }
  func.func @transform_7(%arg0: i32) -> (i32, i32) {
    %c0_i32 = arith.constant 0 : i32
    %c0_i32_0 = arith.constant 0 : i32
    %c0_i32_1 = arith.constant 0 : i32
    return %c0_i32, %c0_i32_0 : i32, i32
  }
  func.func @transform_8(%arg0: i32) -> (i32, i32) {
    %c0_i32 = arith.constant 0 : i32
    %c0_i32_0 = arith.constant 0 : i32
    %c0_i32_1 = arith.constant 0 : i32
    return %c0_i32, %c0_i32_0 : i32, i32
  }
  func.func @transform_9(%arg0: i32) -> i32 {
    %c0_i32 = arith.constant 0 : i32
    %c0_i32_0 = arith.constant 0 : i32
    return %c0_i32 : i32
  }
}

</mosaic_0001>

<sc_bundles>
// kernel: kernel.4.cloned.1.call-start
scs
__scs_entry_jumppad:
0x0: {  	(pc) =	sbr.rel $0x88, $3  }
0x1: {  	(tag) =	ssettag $0x0;
	lr =	simm.s32 $0x1  }
0x2: {  	[smem:$0x3F96] =	sst lr;
	_ =	strace $0xD0000000  }
0x3: {  	_ = 	snop  }
0x4: {  	_ = 	snop  }
0x5: {  	_ = 	snop  }
0x6: {  	_ = 	snop  }
0x7: {  	_ = 	snop  }
__scs_overlays_trampoline_lowered:
0x8: {  	[smem:$0x3FA5] =	sst s0  }
0x9: {  	[smem:$0x3FA6] =	sst s1  }
0xa: {  	[smem:$0x3FA7] =	sst s2  }
0xb: {  	[smem:$0x3FA8] =	sst s3  }
0xc: {  	[smem:$0x3FA9] =	sst s4  }
0xd: {  	[smem:$0x3FAA] =	sst s5  }
0xe: {  	[smem:$0x3FAB] =	sst s6  }
0xf: {  	[smem:$0x3FAC] =	sst s7  }
0x10: {  	[smem:$0x3FAD] =	sst s8  }
0x11: {  	[smem:$0x3FAE] =	sst s9;
	s0 =	simm.s32 @!p0 $0x0  }
0x12: {  	s1 =	sld [smem:$0x3F94];
	s0 =	simm.s32 @p0 $0x1  }
0x13: {  	[smem:$0x3FAF] =	sst s0;
	s0 =	simm.s32 @!p1 $0x0  }
0x14: {  	s2 =	sld [smem:$0x3F93];
	s0 =	simm.s32 @p1 $0x1  }
0x15: {  	[smem:$0x3FB0] =	sst s0;
	s0 =	simm.s32 @!p2 $0x0  }
0x16: {  	s3 =	sld [smem:$0x3FDB];
	s0 =	simm.s32 @p2 $0x1  }
0x17: {  	s4 =	simm.s32 $0x1BF5;
	[smem:$0x3FB2] =	sst s0  }
0x18: {  	s0 =	sld [smem:$0x3F95];
	_ =	swait.ge [sflag:s4], $0x0  }
0x19: {  	s7 =	sld [smem:$0x3F96]  }
0x1a: {  	s8 =	sadd.s32 $0xFFFFE003, lr  }
0x1b: {  	s9 =	sadd.s32 $0xFFFFFEF7, lr;
	s5 =	simm.s32 $0xFFFFFFFF;
	p2 =	slt.u32 s8, $0xFFFFF086  }
0x1c: {  	p1 =	slt.u32 s9, $0xF7A;
	s5 =	simm.s32 @!p2 $0x0  }
0x1d: {  	s5 =	simm.s32 @p1 $0x1;
	p0 =	seq.s32 s7, s2  }
0x1e: {  	s7 =	smul.u32 @!p0 $0xF7A, s2;
	p2 =	seq.s32 @!p0 s5, $0x0  }
0x1f: {  	s9 =	smul.u32 $0xF7A, s1;
	s8 =	simm.s32 @!p0 $0x1BF5;
	p2 =	por !p2, p0  }
0x20: {  	[sflag:s8] =	ssyncset.s32 @!p0 $0xFFFFF086;
	s6 =	sadd.s32 @!p0 s3, s7;
	s7 =	simm.s32 @!p0 $0x108  }
0x21: {  	s3 =	sadd.s32 s3, s9;
	s6 =	sadd.s32 @!p0 $0x88, s6;
	s7 =	simm.s32 @p2 $0x1082  }
0x22: {  	[simem:s7], [sflag:s8] =	dma.local @!p0 [hbm:s6], $0xF7A  }
0x23: {  	s9 =	sor.u32 $0xD0000000, s2;
	s6 =	simm.s32 $0x108;
	_ =	swait.ge @!p0 [sflag:s8], $0x0  }
0x24: {  	s3 =	sadd.s32 $0x88, s3;
	s6 =	simm.s32 @!p1 $0x1082;
	[sflag:s4] =	ssyncset.s32 $0xFFFFF086  }
0x25: {  	[simem:s6], [sflag:s4] =	dma.local [hbm:s3], $0xF7A  }
0x26: {  	[smem:$0x3F96] =	sst s1;
	(tag) =	ssettag s2;
	_ =	strace s9  }
0x27: {  	s1 =	sld [smem:$0x3FA6]  }
0x28: {  	s2 =	sld [smem:$0x3FA7]  }
0x29: {  	s4 =	sld [smem:$0x3FA9]  }
0x2a: {  	p0 =	seq.s32 s5, $0x0;
	s5 =	sld [smem:$0x3FAA]  }
0x2b: {  	s6 =	sld [smem:$0x3FAB]  }
0x2c: {  	s7 =	sld [smem:$0x3FAC]  }
0x2d: {  	s3 =	simm.s32 $0x108;
	s8 =	sld [smem:$0x3FAD]  }
0x2e: {  	s3 =	simm.s32 @!p0 $0x1082;
	s9 =	sld [smem:$0x3FAE]  }
0x2f: {  	lr =	sadd.s32 s0, s3;
	s0 =	sld [smem:$0x3FA5]  }
0x30: {  	s3 =	sld [smem:$0x3FA8]  }
0x31: {  	[smem:$0x3FB1] =	sst s10  }
0x32: {  	s10 =	sld [smem:$0x3FAF];
	_ =	sdelay $0x3  }
0x33: {  	p0 =	seq.s32 s10, $0x1;
	s10 =	sld [smem:$0x3FB1];
	_ =	sdelay $0x3  }
0x34: {  	[smem:$0x3FB1] =	sst s10  }
0x35: {  	s10 =	sld [smem:$0x3FB0];
	_ =	sdelay $0x3  }
0x36: {  	p1 =	seq.s32 s10, $0x1;
	s10 =	sld [smem:$0x3FB1];
	_ =	sdelay $0x3  }
0x37: {  	[smem:$0x3FB1] =	sst s10  }
0x38: {  	s10 =	sld [smem:$0x3FB2]  }
0x39: {  	_ = 	snop;
	(pc) =	sbr.ind lr, $3  }
0x3a: {  	_ = 	snop  }
0x3b: {  	_ = 	snop  }
0x3c: {  	p2 =	seq.s32 s10, $0x1;
	s10 =	sld [smem:$0x3FB1]  }
0x3d: {  	_ =	shalt  }
0x3e: {  	_ =	shalt  }
0x3f: {  	_ =	shalt  }
0x40: {  	_ =	shalt  }
0x41: {  	_ =	shalt  }
0x42: {  	_ =	shalt  }
0x43: {  	_ =	shalt  }
0x44: {  	_ =	shalt  }
0x45: {  	_ =	shalt  }
0x46: {  	_ =	shalt  }
0x47: {  	_ =	shalt  }
0x48: {  	_ =	shalt  }
0x49: {  	_ =	shalt  }
0x4a: {  	_ =	shalt  }
0x4b: {  	_ =	shalt  }
0x4c: {  	_ =	shalt  }
0x4d: {  	_ =	shalt  }
0x4e: {  	_ =	shalt  }
0x4f: {  	_ =	shalt  }
0x50: {  	_ =	shalt  }
0x51: {  	_ =	shalt  }
0x52: {  	_ =	shalt  }
0x53: {  	_ =	shalt  }
0x54: {  	_ =	shalt  }
0x55: {  	_ =	shalt  }
0x56: {  	_ =	shalt  }
0x57: {  	_ =	shalt  }
0x58: {  	_ =	shalt  }
0x59: {  	_ =	shalt  }
0x5a: {  	_ =	shalt  }
0x5b: {  	_ =	shalt  }
0x5c: {  	_ =	shalt  }
0x5d: {  	_ =	shalt  }
0x5e: {  	_ =	shalt  }
0x5f: {  	_ =	shalt  }
0x60: {  	_ =	shalt  }
0x61: {  	_ =	shalt  }
0x62: {  	_ =	shalt  }
0x63: {  	_ =	shalt  }
0x64: {  	_ =	shalt  }
0x65: {  	_ =	shalt  }
0x66: {  	_ =	shalt  }
0x67: {  	_ =	shalt  }
0x68: {  	_ =	shalt  }
0x69: {  	_ =	shalt  }
0x6a: {  	_ =	shalt  }
0x6b: {  	_ =	shalt  }
0x6c: {  	_ =	shalt  }
0x6d: {  	_ =	shalt  }
0x6e: {  	_ =	shalt  }
0x6f: {  	_ =	shalt  }
0x70: {  	_ =	shalt  }
0x71: {  	_ =	shalt  }
0x72: {  	_ =	shalt  }
0x73: {  	_ =	shalt  }
0x74: {  	_ =	shalt  }
0x75: {  	_ =	shalt  }
0x76: {  	_ =	shalt  }
0x77: {  	_ =	shalt  }
0x78: {  	_ =	shalt  }
0x79: {  	_ =	shalt  }
0x7a: {  	_ =	shalt  }
0x7b: {  	_ =	shalt  }
0x7c: {  	_ =	shalt  }
0x7d: {  	_ =	shalt  }
0x7e: {  	_ =	shalt  }
0x7f: {  	_ =	shalt  }
0x80: {  	_ =	shalt  }
0x81: {  	_ =	shalt  }
0x82: {  	_ =	shalt  }
0x83: {  	_ =	shalt  }
0x84: {  	_ =	shalt  }
0x85: {  	_ =	shalt  }
0x86: {  	_ =	shalt  }
0x87: {  	_ =	shalt  }
.Lfunc_end0:
.L_simem_size_0:
called_computation_lowered:
.L_overlay_start_0:
0x88: {  	s2 =	sld [smem:$0x3FD9]  }
0x89: {  	s3 =	sld [smem:$0x3FFE];
	_ =	sdelay $0x1  }
0x8a: {  	s1 =	srdreg.scid  }
0x8b: {  	s0 =	sand.u32 $0x1, s1  }
0x8c: {  	s17 =	sshll.u32 s0, $0xA;
	s2 =	sadd.s32 s3, s2  }
0x8d: {  	s2 =	sadd.s32 s2, s17  }
0x8e: {  	[smem:$0x3FBD] =	sst s2  }
0x8f: {  	_ = 	snop  }
0x90: {  	s2 =	sld [smem:$0x3FC8]  }
0x91: {  	s18 =	sld [smem:$0x3FC7]  }
0x92: {  	s4 =	sld [smem:$0x3FD0];
	(tm) =	ssettm $0x1  }
0x93: {  	s5 =	sld [smem:$0x3FFB];
	_ =	sdelay $0x3  }
0x94: {  	_ =	strace s5  }
0x95: {  	s5 =	sld [smem:$0x3FFC];
	_ =	sdelay $0x3  }
0x96: {  	_ =	strace s5  }
0x97: {  	s5 =	sld [smem:$0x3FFD];
	_ =	sdelay $0x3  }
0x98: {  	_ =	strace s5  }
0x99: {  	_ =	strace $0x8FFFFFFF  }
0x9a: {  	s19 =	sld [smem:$0x3FDB];
	_ =	sdelay $0x1  }
0x9b: {  	s6 =	simm.s32 $_scs_section_size  }
0x9c: {  	s7 =	simm.s32 $_size__tile_overlayer_lowered;
	s8 =	simm.s32 $_tile_overlayer_lowered  }
0x9d: {  	s22 =	simm.s32 $0x1BFF;
	s21 =	sshll.u32 s8, $0x1;
	s5 =	sadd.s32 s6, s19  }
0x9e: {  	s9 =	simm.s32 $0x0;
	s20 =	sshll.u32 s7, $0x1;
	s7 =	sadd.s32 s21, s5  }
0x9f: {  	[timem:s9], [sflag:s22] =	dma.local [hbm:s7], s20  }
0xa0: {  	_ =	swait.ge [sflag:s22], s20  }
0xa1: {  	s6 =	ssub.s32 $0x0, s20;
	[sflag:s22] =	ssyncset.done $0x0  }
0xa2: {  	[sflag:s22] =	ssyncadd.s32 s6;
	_ =	sdelay $0x1  }
0xa3: {  	s23 =	simm.s32 $0x1B8B  }
0xa4: {  	_ =	swait.ge [sflag:s23], $0x1  }
0xa5: {  	[sflag:s23] =	ssyncset.done $0x0  }
0xa6: {  	s25 =	simm.s32 $0x1B8E;
	s24 =	sld [smem:$0x3FFE];
	[sflag:s23] =	ssyncadd.s32 $0xFFFFFFFF  }
0xa7: {  	s26 =	simm.s32 $execute0_lowered;
	[smem:$0x3FD2] =	sst s25  }
0xa8: {  	s7 =	sshll.u32 s26, $0x1;
	_ =	strace $0x80000046;
	[dreg:$0x1] =	wrdreg $0xFFFFFFFF  }
0xa9: {  	s28 =	simm.s32 $_size_execute0_lowered;
	s5 =	sadd.s32 s5, s7;
	[dreg:$0x0] =	wrdreg $0x0  }
0xaa: {  	s7 =	sshll.u32 s28, $0x1;
	[dreg:$0x2] =	wrdreg s5  }
0xab: {  	[dreg:$0x3] =	wrdreg s7  }
0xac: {  	[dreg:$0x4] =	wrdreg $0xC0  }
0xad: {  	_ =	task [dreg:s9], $0x5FFFF  }
0xae: {  	[dreg:$0x1] =	wrdreg $0xFFFFFFFF  }
0xaf: {  	[dreg:$0x0] =	wrdreg $0x60  }
0xb0: {  	[dreg:$0x2] =	wrdreg s24  }
0xb1: {  	[dreg:$0x3] =	wrdreg s2  }
0xb2: {  	[dreg:$0x4] =	wrdreg s18  }
0xb3: {  	[dreg:$0x5] =	wrdreg s4  }
0xb4: {  	[dreg:$0x6] =	wrdreg $0x9  }
0xb5: {  	_ =	task.clear_ibuf [dreg:s9], $0x7FFFF;
	_ =	strace $0x90000046  }
0xb6: {  	s29 =	simm.s32 $0x9;
	_ =	strace $0x80000048  }
0xb7: {  	_ =	swait.ge [sflag:s29], $0x1  }
0xb8: {  	[sflag:s29] =	ssyncadd.s32 $0xFFFFFFFF  }
0xb9: {  	_ =	strace $0x90000048  }
0xba: {  	_ =	sfence  }
0xbb: {  	s30 =	sld [smem:$0x0];
	_ =	sdelay $0x2  }
0xbc: {  	s31 =	sshll.u32 s1, $0xD;
	s1 =	sshrl.u32 s1, $0x2  }
0xbd: {  	s3 =	sand.u32 $0x4000, s31;
	s1 =	sadd.s32 s1, s30  }
0xbe: {  	s0 =	sor.u32 s3, s0;
	s1 =	sshll.u32 s1, $0x11  }
0xbf: {  	s0 =	sor.u32 s1, s0  }
0xc0: {  	s0 =	sadd.s32 $0x8F2B, s0  }
0xc1: {  	[sflag:s0] =	ssyncadd.remote.s32 $0x1  }
0xc2: {  	_ =	sfence.sel $0xFFFF  }
0xc3: {  	[dreg:$0x0] =	wrdreg $0xFFFFFFFF;
	(pc) =	sbr.abs _section_cstart, $3  }
0xc4: {  	[dreg:$0x1] =	wrdreg $0xFFFFFFFF  }
0xc5: {  	_ =	task.clear_ibuf [dreg:s9], $0x2FFFF;
	_ =	strace $0x9FFFFFFF  }
0xc6: {  	(tm) =	ssettm $0x7FFFFFFF  }
0xc7: {  	_ =	shalt  }
tec
execute0_lowered:
.L_overlay_start_1:
0x0: {  	(tag) =	ssettag $0x1  }
0x1: {  	s3 =	rddreg [dreg:$0x0]  }
0x2: {  	s4 =	rddreg [dreg:$0x1]  }
0x3: {  	s6 =	rddreg [dreg:$0x2]  }
0x4: {  	s5 =	rddreg [dreg:$0x3]  }
0x5: {  	s0 =	rddreg [dreg:$0x4];
	s2 =	simm.s32 $0x0;
	s7 =	srdreg.scid  }
0x6: {  	s1 =	stileid.u32;
	s12 =	simm.s32 $0x3400;
	s13 =	simm.s32 $0x3500  }
0x7: {  	s14 =	simm.s32 $0x2;
	[smem:$0x7FF] =	sst s2;
	s7 =	sand.u32 $0x1, s7  }
0x8: {  	s8 =	sshll.u32 s1, $0x9;
	s3 =	sadd.s32 $0x1200, s3;
	s9 =	sshll.u32 s7, $0x8  }
0x9: {  	_ =	strace $0x80000047;
	s7 =	ssub.s32 $0x2, s7;
	s8 =	sor.u32 s9, s8  }
0xa: {  	s31 =	sshrl.u32 s7, $0x1;
	s10 =	sshrl.u32 s8, $0x1;
	s11 =	sshrl.u32 s8, $0x3  }
0xb: {  	s9 =	ssub.s32 s7, s31;
	s6 =	sadd.s32 s6, s8;
	s4 =	sadd.s32 s4, s10  }
0xc: {  	s5 =	sadd.s32 s5, s11;
	s8 =	smax.u32 s9, $0x1;
	s9 =	simm.s32 $0x2800  }
0xd: {  	s10 =	simm.s32 $0x2C00;
	s11 =	simm.s32 $0x1;
	s7 =	sadd.s32 $0x400, s5  }
.LBB2_1:
0xe: {  	[tilespmem:s2], [sflag:$0x1] =	stream.linear.gather [hbm4b:s3+s2], $0x2800, $0x38;
	[tilespmem:$0x3600] =	vst v63  }
0xf: {  	_ = 	snop  }
0x10: {  	[tilespmem:s9], [sflag:$0x1] =	stream.linear.gather [hbm4b:s4+s2], $0x400, $0x38;
	[tilespmem:$0x3600] =	vst v63  }
0x11: {  	_ = 	snop  }
0x12: {  	[tilespmem:s10], [sflag:$0x1] =	stream.linear.gather [hbm4b:s6+s2], $0x800, $0x38;
	[tilespmem:$0x3600] =	vst v63  }
0x13: {  	_ =	swait.ge [sflag:s11], $0x2800  }
0x14: {  	[sflag:s11] =	ssyncset.done $0x0  }
0x15: {  	[sflag:s11] =	ssyncadd.s32 $0xFFFFD800  }
0x16: {  	_ =	swait.ge [sflag:s11], $0x400  }
0x17: {  	[sflag:s11] =	ssyncset.done $0x0  }
0x18: {  	[sflag:s11] =	ssyncadd.s32 $0xFFFFFC00  }
0x19: {  	v0 =	vld [tilespmem:$0x2800];
	_ =	sdelay $0x1  }
0x1a: {  	v1 =	vld [tilespmem:$0x2880];
	_ =	sdelay $0x1  }
0x1b: {  	v2 =	vld [tilespmem:$0x2900];
	_ =	sdelay $0x1  }
0x1c: {  	v3 =	vld [tilespmem:$0x2980];
	_ =	sdelay $0x1  }
0x1d: {  	v0 =	vld.idx.msk [tilespmem:v0+s2+$0x0], $0xffff;
	_ =	sdelay $0x1  }
0x1e: {  	v1 =	vld.idx.msk [tilespmem:v1+s2+$0x0], $0xffff;
	_ =	sdelay $0x1  }
0x1f: {  	v2 =	vld.idx.msk [tilespmem:v2+s2+$0x0], $0xffff  }
0x20: {  	v0 =	vadd.f32 $0.0e+00, v0  }
0x21: {  	v3 =	vld.idx.msk [tilespmem:v3+s2+$0x0], $0xffff  }
0x22: {  	v0 =	vadd.f32 v1, v0  }
0x23: {  	v12 =	vld [tilespmem:$0x2810]  }
0x24: {  	v0 =	vadd.f32 v2, v0  }
0x25: {  	v13 =	vld [tilespmem:$0x2890]  }
0x26: {  	v0 =	vadd.f32 v3, v0  }
0x27: {  	v14 =	vld [tilespmem:$0x2910]  }
0x28: {  	v0 =	vmul.f32 $2.500000000e-01, v0  }
0x29: {  	v4 =	vld [tilespmem:$0x2990]  }
0x2a: {  	[tilespmem:$0x3400] =	vst v0  }
0x2b: {  	v0 =	vld.idx.msk [tilespmem:v12+s2+$0x0], $0xffff;
	_ =	sdelay $0x1  }
0x2c: {  	v15 =	vld.idx.msk [tilespmem:v13+s2+$0x0], $0xffff;
	_ =	sdelay $0x1  }
0x2d: {  	v16 =	vld.idx.msk [tilespmem:v14+s2+$0x0], $0xffff  }
0x2e: {  	v0 =	vadd.f32 $0.0e+00, v0  }
0x2f: {  	v17 =	vld.idx.msk [tilespmem:v4+s2+$0x0], $0xffff  }
0x30: {  	v0 =	vadd.f32 v15, v0  }
0x31: {  	v18 =	vld [tilespmem:$0x2820]  }
0x32: {  	v0 =	vadd.f32 v16, v0  }
0x33: {  	v19 =	vld [tilespmem:$0x28A0]  }
0x34: {  	v0 =	vadd.f32 v17, v0  }
0x35: {  	v20 =	vld [tilespmem:$0x2920]  }
0x36: {  	v0 =	vmul.f32 $2.500000000e-01, v0  }
0x37: {  	v21 =	vld [tilespmem:$0x29A0]  }
0x38: {  	[tilespmem:$0x3410] =	vst v0  }
0x39: {  	v0 =	vld.idx.msk [tilespmem:v18+s2+$0x0], $0xffff;
	_ =	sdelay $0x1  }
0x3a: {  	v22 =	vld.idx.msk [tilespmem:v19+s2+$0x0], $0xffff;
	_ =	sdelay $0x1  }
0x3b: {  	v23 =	vld.idx.msk [tilespmem:v20+s2+$0x0], $0xffff  }
0x3c: {  	v0 =	vadd.f32 $0.0e+00, v0  }
0x3d: {  	v24 =	vld.idx.msk [tilespmem:v21+s2+$0x0], $0xffff  }
0x3e: {  	v0 =	vadd.f32 v22, v0  }
0x3f: {  	v25 =	vld [tilespmem:$0x2830]  }
0x40: {  	v0 =	vadd.f32 v23, v0  }
0x41: {  	v26 =	vld [tilespmem:$0x28B0]  }
0x42: {  	v0 =	vadd.f32 v24, v0  }
0x43: {  	v27 =	vld [tilespmem:$0x2930]  }
0x44: {  	v0 =	vmul.f32 $2.500000000e-01, v0  }
0x45: {  	v28 =	vld [tilespmem:$0x29B0]  }
0x46: {  	[tilespmem:$0x3420] =	vst v0  }
0x47: {  	v0 =	vld.idx.msk [tilespmem:v25+s2+$0x0], $0xffff;
	_ =	sdelay $0x1  }
0x48: {  	v29 =	vld.idx.msk [tilespmem:v26+s2+$0x0], $0xffff;
	_ =	sdelay $0x1  }
0x49: {  	v30 =	vld.idx.msk [tilespmem:v27+s2+$0x0], $0xffff  }
0x4a: {  	v0 =	vadd.f32 $0.0e+00, v0  }
0x4b: {  	v31 =	vld.idx.msk [tilespmem:v28+s2+$0x0], $0xffff  }
0x4c: {  	v0 =	vadd.f32 v29, v0  }
0x4d: {  	v32 =	vld [tilespmem:$0x2840]  }
0x4e: {  	v0 =	vadd.f32 v30, v0  }
0x4f: {  	v33 =	vld [tilespmem:$0x28C0]  }
0x50: {  	v0 =	vadd.f32 v31, v0  }
0x51: {  	v34 =	vld [tilespmem:$0x2940]  }
0x52: {  	v0 =	vmul.f32 $2.500000000e-01, v0  }
0x53: {  	v35 =	vld [tilespmem:$0x29C0]  }
0x54: {  	[tilespmem:$0x3430] =	vst v0  }
0x55: {  	v0 =	vld.idx.msk [tilespmem:v32+s2+$0x0], $0xffff;
	_ =	sdelay $0x1  }
0x56: {  	v36 =	vld.idx.msk [tilespmem:v33+s2+$0x0], $0xffff;
	_ =	sdelay $0x1  }
0x57: {  	v37 =	vld.idx.msk [tilespmem:v34+s2+$0x0], $0xffff  }
0x58: {  	v0 =	vadd.f32 $0.0e+00, v0  }
0x59: {  	v38 =	vld.idx.msk [tilespmem:v35+s2+$0x0], $0xffff  }
0x5a: {  	v0 =	vadd.f32 v36, v0  }
0x5b: {  	v39 =	vld [tilespmem:$0x2850]  }
0x5c: {  	v0 =	vadd.f32 v37, v0  }
0x5d: {  	v40 =	vld [tilespmem:$0x28D0]  }
0x5e: {  	v0 =	vadd.f32 v38, v0  }
0x5f: {  	v41 =	vld [tilespmem:$0x2950]  }
0x60: {  	v0 =	vmul.f32 $2.500000000e-01, v0  }
0x61: {  	v42 =	vld [tilespmem:$0x29D0]  }
0x62: {  	[tilespmem:$0x3440] =	vst v0  }
0x63: {  	v0 =	vld.idx.msk [tilespmem:v39+s2+$0x0], $0xffff;
	_ =	sdelay $0x1  }
0x64: {  	v43 =	vld.idx.msk [tilespmem:v40+s2+$0x0], $0xffff;
	_ =	sdelay $0x1  }
0x65: {  	v44 =	vld.idx.msk [tilespmem:v41+s2+$0x0], $0xffff  }
0x66: {  	v0 =	vadd.f32 $0.0e+00, v0  }
0x67: {  	v45 =	vld.idx.msk [tilespmem:v42+s2+$0x0], $0xffff  }
0x68: {  	v0 =	vadd.f32 v43, v0  }
0x69: {  	v46 =	vld [tilespmem:$0x2860]  }
0x6a: {  	v0 =	vadd.f32 v44, v0  }
0x6b: {  	v47 =	vld [tilespmem:$0x28E0]  }
0x6c: {  	v0 =	vadd.f32 v45, v0  }
0x6d: {  	v48 =	vld [tilespmem:$0x2960]  }
0x6e: {  	v0 =	vmul.f32 $2.500000000e-01, v0  }
0x6f: {  	v49 =	vld [tilespmem:$0x29E0]  }
0x70: {  	[tilespmem:$0x3450] =	vst v0  }
0x71: {  	v0 =	vld.idx.msk [tilespmem:v46+s2+$0x0], $0xffff;
	_ =	sdelay $0x1  }
0x72: {  	v50 =	vld.idx.msk [tilespmem:v47+s2+$0x0], $0xffff;
	_ =	sdelay $0x1  }
0x73: {  	v51 =	vld.idx.msk [tilespmem:v48+s2+$0x0], $0xffff  }
0x74: {  	v0 =	vadd.f32 $0.0e+00, v0  }
0x75: {  	v52 =	vld.idx.msk [tilespmem:v49+s2+$0x0], $0xffff  }
0x76: {  	v0 =	vadd.f32 v50, v0  }
0x77: {  	v53 =	vld [tilespmem:$0x2870]  }
0x78: {  	v0 =	vadd.f32 v51, v0  }
0x79: {  	v54 =	vld [tilespmem:$0x28F0]  }
0x7a: {  	v0 =	vadd.f32 v52, v0  }
0x7b: {  	v55 =	vld [tilespmem:$0x2970]  }
0x7c: {  	v0 =	vmul.f32 $2.500000000e-01, v0  }
0x7d: {  	v56 =	vld [tilespmem:$0x29F0]  }
0x7e: {  	[tilespmem:$0x3460] =	vst v0  }
0x7f: {  	v0 =	vld.idx.msk [tilespmem:v53+s2+$0x0], $0xffff;
	_ =	sdelay $0x1  }
0x80: {  	v57 =	vld.idx.msk [tilespmem:v54+s2+$0x0], $0xffff;
	_ =	sdelay $0x1  }
0x81: {  	v58 =	vld.idx.msk [tilespmem:v55+s2+$0x0], $0xffff  }
0x82: {  	v0 =	vadd.f32 $0.0e+00, v0  }
0x83: {  	v59 =	vld.idx.msk [tilespmem:v56+s2+$0x0], $0xffff  }
0x84: {  	v0 =	vadd.f32 v57, v0  }
0x85: {  	v60 =	vld [tilespmem:$0x2A00]  }
0x86: {  	v0 =	vadd.f32 v58, v0  }
0x87: {  	v61 =	vld [tilespmem:$0x2A80]  }
0x88: {  	v0 =	vadd.f32 v59, v0  }
0x89: {  	v62 =	vld [tilespmem:$0x2B00]  }
0x8a: {  	v0 =	vmul.f32 $2.500000000e-01, v0  }
0x8b: {  	v63 =	vld [tilespmem:$0x2B80]  }
0x8c: {  	[tilespmem:$0x3470] =	vst v0  }
0x8d: {  	v0 =	vld.idx.msk [tilespmem:v60+s2+$0x0], $0xffff;
	_ =	sdelay $0x1  }
0x8e: {  	v7 =	vld.idx.msk [tilespmem:v61+s2+$0x0], $0xffff;
	_ =	sdelay $0x1  }
0x8f: {  	v8 =	vld.idx.msk [tilespmem:v62+s2+$0x0], $0xffff  }
0x90: {  	v0 =	vadd.f32 $0.0e+00, v0  }
0x91: {  	v9 =	vld.idx.msk [tilespmem:v63+s2+$0x0], $0xffff  }
0x92: {  	v0 =	vadd.f32 v7, v0  }
0x93: {  	v10 =	vld [tilespmem:$0x2A10]  }
0x94: {  	v0 =	vadd.f32 v8, v0  }
0x95: {  	v11 =	vld [tilespmem:$0x2A90]  }
0x96: {  	v0 =	vadd.f32 v9, v0  }
0x97: {  	v12 =	vld [tilespmem:$0x2B10]  }
0x98: {  	v0 =	vmul.f32 $2.500000000e-01, v0  }
0x99: {  	v13 =	vld [tilespmem:$0x2B90]  }
0x9a: {  	[tilespmem:$0x3480] =	vst v0  }
0x9b: {  	v0 =	vld.idx.msk [tilespmem:v10+s2+$0x0], $0xffff;
	_ =	sdelay $0x1  }
0x9c: {  	v14 =	vld.idx.msk [tilespmem:v11+s2+$0x0], $0xffff;
	_ =	sdelay $0x1  }
0x9d: {  	v15 =	vld.idx.msk [tilespmem:v12+s2+$0x0], $0xffff  }
0x9e: {  	v0 =	vadd.f32 $0.0e+00, v0  }
0x9f: {  	v16 =	vld.idx.msk [tilespmem:v13+s2+$0x0], $0xffff  }
0xa0: {  	v0 =	vadd.f32 v14, v0  }
0xa1: {  	v17 =	vld [tilespmem:$0x2A20]  }
0xa2: {  	v0 =	vadd.f32 v15, v0  }
0xa3: {  	v18 =	vld [tilespmem:$0x2AA0]  }
0xa4: {  	v0 =	vadd.f32 v16, v0  }
0xa5: {  	v19 =	vld [tilespmem:$0x2B20]  }
0xa6: {  	v0 =	vmul.f32 $2.500000000e-01, v0  }
0xa7: {  	v20 =	vld [tilespmem:$0x2BA0]  }
0xa8: {  	[tilespmem:$0x3490] =	vst v0  }
0xa9: {  	v0 =	vld.idx.msk [tilespmem:v17+s2+$0x0], $0xffff;
	_ =	sdelay $0x1  }
0xaa: {  	v21 =	vld.idx.msk [tilespmem:v18+s2+$0x0], $0xffff;
	_ =	sdelay $0x1  }
0xab: {  	v22 =	vld.idx.msk [tilespmem:v19+s2+$0x0], $0xffff  }
0xac: {  	v0 =	vadd.f32 $0.0e+00, v0  }
0xad: {  	v23 =	vld.idx.msk [tilespmem:v20+s2+$0x0], $0xffff  }
0xae: {  	v0 =	vadd.f32 v21, v0  }
0xaf: {  	v24 =	vld [tilespmem:$0x2A30]  }
0xb0: {  	v0 =	vadd.f32 v22, v0  }
0xb1: {  	v25 =	vld [tilespmem:$0x2AB0]  }
0xb2: {  	v0 =	vadd.f32 v23, v0  }
0xb3: {  	v26 =	vld [tilespmem:$0x2B30]  }
0xb4: {  	v0 =	vmul.f32 $2.500000000e-01, v0  }
0xb5: {  	v27 =	vld [tilespmem:$0x2BB0]  }
0xb6: {  	[tilespmem:$0x34A0] =	vst v0  }
0xb7: {  	v0 =	vld.idx.msk [tilespmem:v24+s2+$0x0], $0xffff;
	_ =	sdelay $0x1  }
0xb8: {  	v28 =	vld.idx.msk [tilespmem:v25+s2+$0x0], $0xffff;
	_ =	sdelay $0x1  }
0xb9: {  	v29 =	vld.idx.msk [tilespmem:v26+s2+$0x0], $0xffff  }
0xba: {  	v0 =	vadd.f32 $0.0e+00, v0  }
0xbb: {  	v30 =	vld.idx.msk [tilespmem:v27+s2+$0x0], $0xffff  }
0xbc: {  	v0 =	vadd.f32 v28, v0  }
0xbd: {  	v31 =	vld [tilespmem:$0x2A40]  }
0xbe: {  	v0 =	vadd.f32 v29, v0  }
0xbf: {  	v32 =	vld [tilespmem:$0x2AC0]  }
0xc0: {  	v0 =	vadd.f32 v30, v0  }
0xc1: {  	v33 =	vld [tilespmem:$0x2B40]  }
0xc2: {  	v0 =	vmul.f32 $2.500000000e-01, v0  }
0xc3: {  	v34 =	vld [tilespmem:$0x2BC0]  }
0xc4: {  	[tilespmem:$0x34B0] =	vst v0  }
0xc5: {  	v0 =	vld.idx.msk [tilespmem:v31+s2+$0x0], $0xffff;
	_ =	sdelay $0x1  }
0xc6: {  	v35 =	vld.idx.msk [tilespmem:v32+s2+$0x0], $0xffff;
	_ =	sdelay $0x1  }
0xc7: {  	v36 =	vld.idx.msk [tilespmem:v33+s2+$0x0], $0xffff  }
0xc8: {  	v0 =	vadd.f32 $0.0e+00, v0  }
0xc9: {  	v37 =	vld.idx.msk [tilespmem:v34+s2+$0x0], $0xffff  }
0xca: {  	v0 =	vadd.f32 v35, v0  }
0xcb: {  	v38 =	vld [tilespmem:$0x2A50]  }
0xcc: {  	v0 =	vadd.f32 v36, v0  }
0xcd: {  	v39 =	vld [tilespmem:$0x2AD0]  }
0xce: {  	v0 =	vadd.f32 v37, v0  }
0xcf: {  	v40 =	vld [tilespmem:$0x2B50]  }
0xd0: {  	v0 =	vmul.f32 $2.500000000e-01, v0  }
0xd1: {  	v41 =	vld [tilespmem:$0x2BD0]  }
0xd2: {  	[tilespmem:$0x34C0] =	vst v0  }
0xd3: {  	v0 =	vld.idx.msk [tilespmem:v38+s2+$0x0], $0xffff;
	_ =	sdelay $0x1  }
0xd4: {  	v42 =	vld.idx.msk [tilespmem:v39+s2+$0x0], $0xffff;
	_ =	sdelay $0x1  }
0xd5: {  	v43 =	vld.idx.msk [tilespmem:v40+s2+$0x0], $0xffff  }
0xd6: {  	v0 =	vadd.f32 $0.0e+00, v0  }
0xd7: {  	v44 =	vld.idx.msk [tilespmem:v41+s2+$0x0], $0xffff  }
0xd8: {  	v0 =	vadd.f32 v42, v0  }
0xd9: {  	v45 =	vld [tilespmem:$0x2A60]  }
0xda: {  	v0 =	vadd.f32 v43, v0  }
0xdb: {  	v46 =	vld [tilespmem:$0x2AE0]  }
0xdc: {  	v0 =	vadd.f32 v44, v0  }
0xdd: {  	v47 =	vld [tilespmem:$0x2B60]  }
0xde: {  	v0 =	vmul.f32 $2.500000000e-01, v0  }
0xdf: {  	v48 =	vld [tilespmem:$0x2BE0]  }
0xe0: {  	[tilespmem:$0x34D0] =	vst v0  }
0xe1: {  	v0 =	vld.idx.msk [tilespmem:v45+s2+$0x0], $0xffff;
	_ =	sdelay $0x1  }
0xe2: {  	v49 =	vld.idx.msk [tilespmem:v46+s2+$0x0], $0xffff;
	_ =	sdelay $0x1  }
0xe3: {  	v50 =	vld.idx.msk [tilespmem:v47+s2+$0x0], $0xffff  }
0xe4: {  	v0 =	vadd.f32 $0.0e+00, v0  }
0xe5: {  	v51 =	vld.idx.msk [tilespmem:v48+s2+$0x0], $0xffff  }
0xe6: {  	v0 =	vadd.f32 v49, v0  }
0xe7: {  	v52 =	vld [tilespmem:$0x2A70]  }
0xe8: {  	v0 =	vadd.f32 v50, v0  }
0xe9: {  	v53 =	vld [tilespmem:$0x2AF0]  }
0xea: {  	v0 =	vadd.f32 v51, v0  }
0xeb: {  	v54 =	vld [tilespmem:$0x2B70]  }
0xec: {  	v0 =	vmul.f32 $2.500000000e-01, v0  }
0xed: {  	v55 =	vld [tilespmem:$0x2BF0]  }
0xee: {  	[tilespmem:$0x34E0] =	vst v0  }
0xef: {  	v0 =	vld.idx.msk [tilespmem:v52+s2+$0x0], $0xffff;
	_ =	sdelay $0x1  }
0xf0: {  	v56 =	vld.idx.msk [tilespmem:v53+s2+$0x0], $0xffff;
	_ =	sdelay $0x1  }
0xf1: {  	v57 =	vld.idx.msk [tilespmem:v54+s2+$0x0], $0xffff  }
0xf2: {  	v0 =	vadd.f32 $0.0e+00, v0  }
0xf3: {  	v58 =	vld.idx.msk [tilespmem:v55+s2+$0x0], $0xffff  }
0xf4: {  	v0 =	vadd.f32 v56, v0;
	_ =	sdelay $0x1  }
0xf5: {  	v0 =	vadd.f32 v57, v0;
	_ =	sdelay $0x1  }
0xf6: {  	v0 =	vadd.f32 v58, v0;
	_ =	sdelay $0x1  }
0xf7: {  	v0 =	vmul.f32 $2.500000000e-01, v0;
	_ =	sdelay $0x1  }
0xf8: {  	[tilespmem:$0x34F0] =	vst v0  }
0xf9: {  	[hbm4b:s5+s2] =	stream.linear.scatter [tilespmem:s12], [sflag:$0x1], $0x100, $0x38;
	[tilespmem:$0x3600] =	vst v63  }
0xfa: {  	_ =	swait.ge [sflag:s11], $0x800  }
0xfb: {  	[sflag:s11] =	ssyncset.done $0x0  }
0xfc: {  	[sflag:s11] =	ssyncadd.s32 $0xFFFFF800  }
0xfd: {  	v59 =	vld [tilespmem:$0x2C00];
	_ =	sdelay $0x1  }
0xfe: {  	v60 =	vld [tilespmem:$0x2C80];
	_ =	sdelay $0x1  }
0xff: {  	v61 =	vld [tilespmem:$0x2D00];
	_ =	sdelay $0x1  }
0x100: {  	v62 =	vld [tilespmem:$0x2D80]  }
0x101: {  	v63 =	vld [tilespmem:$0x2E00]  }
0x102: {  	v0 =	vld.idx.msk [tilespmem:v59+s2+$0x0], $0xffff  }
0x103: {  	v5 =	vld [tilespmem:$0x2E80]  }
0x104: {  	v1 =	vld.idx.msk [tilespmem:v60+s2+$0x0], $0xffff  }
0x105: {  	v6 =	vld [tilespmem:$0x2F00]  }
0x106: {  	v2 =	vld.idx.msk [tilespmem:v61+s2+$0x0], $0xffff  }
0x107: {  	v7 =	vld [tilespmem:$0x2F80];
	v0 =	vadd.f32 $0.0e+00, v0  }
0x108: {  	v3 =	vld.idx.msk [tilespmem:v62+s2+$0x0], $0xffff  }
0x109: {  	v0 =	vadd.f32 v1, v0  }
0x10a: {  	v8 =	vld.idx.msk [tilespmem:v63+s2+$0x0], $0xffff  }
0x10b: {  	v0 =	vadd.f32 v2, v0  }
0x10c: {  	v9 =	vld.idx.msk [tilespmem:v5+s2+$0x0], $0xffff  }
0x10d: {  	v0 =	vadd.f32 v3, v0  }
0x10e: {  	v10 =	vld.idx.msk [tilespmem:v6+s2+$0x0], $0xffff  }
0x10f: {  	v0 =	vadd.f32 v8, v0  }
0x110: {  	v11 =	vld.idx.msk [tilespmem:v7+s2+$0x0], $0xffff  }
0x111: {  	v0 =	vadd.f32 v9, v0  }
0x112: {  	v12 =	vld [tilespmem:$0x2C10]  }
0x113: {  	v0 =	vadd.f32 v10, v0  }
0x114: {  	v13 =	vld [tilespmem:$0x2C90]  }
0x115: {  	v0 =	vadd.f32 v11, v0  }
0x116: {  	v14 =	vld [tilespmem:$0x2D10]  }
0x117: {  	v0 =	vmul.f32 $1.250000000e-01, v0  }
0x118: {  	v15 =	vld [tilespmem:$0x2D90]  }
0x119: {  	v16 =	vld [tilespmem:$0x2E10];
	[tilespmem:$0x3500] =	vst v0  }
0x11a: {  	v0 =	vld.idx.msk [tilespmem:v12+s2+$0x0], $0xffff  }
0x11b: {  	v17 =	vld [tilespmem:$0x2E90]  }
0x11c: {  	v3 =	vld.idx.msk [tilespmem:v13+s2+$0x0], $0xffff  }
0x11d: {  	v18 =	vld [tilespmem:$0x2F10]  }
0x11e: {  	v1 =	vld.idx.msk [tilespmem:v14+s2+$0x0], $0xffff  }
0x11f: {  	v19 =	vld [tilespmem:$0x2F90];
	v0 =	vadd.f32 $0.0e+00, v0  }
0x120: {  	v4 =	vld.idx.msk [tilespmem:v15+s2+$0x0], $0xffff  }
0x121: {  	v0 =	vadd.f32 v3, v0  }
0x122: {  	v2 =	vld.idx.msk [tilespmem:v16+s2+$0x0], $0xffff  }
0x123: {  	v0 =	vadd.f32 v1, v0  }
0x124: {  	v20 =	vld.idx.msk [tilespmem:v17+s2+$0x0], $0xffff  }
0x125: {  	v0 =	vadd.f32 v4, v0  }
0x126: {  	v21 =	vld.idx.msk [tilespmem:v18+s2+$0x0], $0xffff  }
0x127: {  	v0 =	vadd.f32 v2, v0  }
0x128: {  	v22 =	vld.idx.msk [tilespmem:v19+s2+$0x0], $0xffff  }
0x129: {  	v0 =	vadd.f32 v20, v0  }
0x12a: {  	v23 =	vld [tilespmem:$0x2C20]  }
0x12b: {  	v0 =	vadd.f32 v21, v0  }
0x12c: {  	v24 =	vld [tilespmem:$0x2CA0]  }
0x12d: {  	v0 =	vadd.f32 v22, v0  }
0x12e: {  	v25 =	vld [tilespmem:$0x2D20]  }
0x12f: {  	v0 =	vmul.f32 $1.250000000e-01, v0  }
0x130: {  	v26 =	vld [tilespmem:$0x2DA0]  }
0x131: {  	v27 =	vld [tilespmem:$0x2E20];
	[tilespmem:$0x3510] =	vst v0  }
0x132: {  	v0 =	vld.idx.msk [tilespmem:v23+s2+$0x0], $0xffff  }
0x133: {  	v28 =	vld [tilespmem:$0x2EA0]  }
0x134: {  	v3 =	vld.idx.msk [tilespmem:v24+s2+$0x0], $0xffff  }
0x135: {  	v29 =	vld [tilespmem:$0x2F20]  }
0x136: {  	v2 =	vld.idx.msk [tilespmem:v25+s2+$0x0], $0xffff  }
0x137: {  	v30 =	vld [tilespmem:$0x2FA0];
	v0 =	vadd.f32 $0.0e+00, v0  }
0x138: {  	v4 =	vld.idx.msk [tilespmem:v26+s2+$0x0], $0xffff  }
0x139: {  	v0 =	vadd.f32 v3, v0  }
0x13a: {  	v1 =	vld.idx.msk [tilespmem:v27+s2+$0x0], $0xffff  }
0x13b: {  	v0 =	vadd.f32 v2, v0  }
0x13c: {  	v31 =	vld.idx.msk [tilespmem:v28+s2+$0x0], $0xffff  }
0x13d: {  	v0 =	vadd.f32 v4, v0  }
0x13e: {  	v32 =	vld.idx.msk [tilespmem:v29+s2+$0x0], $0xffff  }
0x13f: {  	v0 =	vadd.f32 v1, v0  }
0x140: {  	v33 =	vld.idx.msk [tilespmem:v30+s2+$0x0], $0xffff  }
0x141: {  	v0 =	vadd.f32 v31, v0  }
0x142: {  	v34 =	vld [tilespmem:$0x2C30]  }
0x143: {  	v0 =	vadd.f32 v32, v0  }
0x144: {  	v35 =	vld [tilespmem:$0x2CB0]  }
0x145: {  	v0 =	vadd.f32 v33, v0  }
0x146: {  	v36 =	vld [tilespmem:$0x2D30]  }
0x147: {  	v0 =	vmul.f32 $1.250000000e-01, v0  }
0x148: {  	v37 =	vld [tilespmem:$0x2DB0]  }
0x149: {  	v38 =	vld [tilespmem:$0x2E30];
	[tilespmem:$0x3520] =	vst v0  }
0x14a: {  	v0 =	vld.idx.msk [tilespmem:v34+s2+$0x0], $0xffff  }
0x14b: {  	v39 =	vld [tilespmem:$0x2EB0]  }
0x14c: {  	v3 =	vld.idx.msk [tilespmem:v35+s2+$0x0], $0xffff  }
0x14d: {  	v40 =	vld [tilespmem:$0x2F30]  }
0x14e: {  	v1 =	vld.idx.msk [tilespmem:v36+s2+$0x0], $0xffff  }
0x14f: {  	v41 =	vld [tilespmem:$0x2FB0];
	v0 =	vadd.f32 $0.0e+00, v0  }
0x150: {  	v4 =	vld.idx.msk [tilespmem:v37+s2+$0x0], $0xffff  }
0x151: {  	v0 =	vadd.f32 v3, v0  }
0x152: {  	v2 =	vld.idx.msk [tilespmem:v38+s2+$0x0], $0xffff  }
0x153: {  	v0 =	vadd.f32 v1, v0  }
0x154: {  	v42 =	vld.idx.msk [tilespmem:v39+s2+$0x0], $0xffff  }
0x155: {  	v0 =	vadd.f32 v4, v0  }
0x156: {  	v43 =	vld.idx.msk [tilespmem:v40+s2+$0x0], $0xffff  }
0x157: {  	v0 =	vadd.f32 v2, v0  }
0x158: {  	v44 =	vld.idx.msk [tilespmem:v41+s2+$0x0], $0xffff  }
0x159: {  	v0 =	vadd.f32 v42, v0  }
0x15a: {  	v45 =	vld [tilespmem:$0x2C40]  }
0x15b: {  	v0 =	vadd.f32 v43, v0  }
0x15c: {  	v46 =	vld [tilespmem:$0x2CC0]  }
0x15d: {  	v0 =	vadd.f32 v44, v0  }
0x15e: {  	v47 =	vld [tilespmem:$0x2D40]  }
0x15f: {  	v0 =	vmul.f32 $1.250000000e-01, v0  }
0x160: {  	v48 =	vld [tilespmem:$0x2DC0]  }
0x161: {  	v49 =	vld [tilespmem:$0x2E40];
	[tilespmem:$0x3530] =	vst v0  }
0x162: {  	v0 =	vld.idx.msk [tilespmem:v45+s2+$0x0], $0xffff  }
0x163: {  	v50 =	vld [tilespmem:$0x2EC0]  }
0x164: {  	v3 =	vld.idx.msk [tilespmem:v46+s2+$0x0], $0xffff  }
0x165: {  	v51 =	vld [tilespmem:$0x2F40]  }
0x166: {  	v2 =	vld.idx.msk [tilespmem:v47+s2+$0x0], $0xffff  }
0x167: {  	v52 =	vld [tilespmem:$0x2FC0];
	v0 =	vadd.f32 $0.0e+00, v0  }
0x168: {  	v4 =	vld.idx.msk [tilespmem:v48+s2+$0x0], $0xffff  }
0x169: {  	v0 =	vadd.f32 v3, v0  }
0x16a: {  	v1 =	vld.idx.msk [tilespmem:v49+s2+$0x0], $0xffff  }
0x16b: {  	v0 =	vadd.f32 v2, v0  }
0x16c: {  	v53 =	vld.idx.msk [tilespmem:v50+s2+$0x0], $0xffff  }
0x16d: {  	v0 =	vadd.f32 v4, v0  }
0x16e: {  	v54 =	vld.idx.msk [tilespmem:v51+s2+$0x0], $0xffff  }
0x16f: {  	v0 =	vadd.f32 v1, v0  }
0x170: {  	v55 =	vld.idx.msk [tilespmem:v52+s2+$0x0], $0xffff  }
0x171: {  	v0 =	vadd.f32 v53, v0  }
0x172: {  	v56 =	vld [tilespmem:$0x2C50]  }
0x173: {  	v0 =	vadd.f32 v54, v0  }
0x174: {  	v57 =	vld [tilespmem:$0x2CD0]  }
0x175: {  	v0 =	vadd.f32 v55, v0  }
0x176: {  	v58 =	vld [tilespmem:$0x2D50]  }
0x177: {  	v0 =	vmul.f32 $1.250000000e-01, v0  }
0x178: {  	v59 =	vld [tilespmem:$0x2DD0]  }
0x179: {  	v60 =	vld [tilespmem:$0x2E50];
	[tilespmem:$0x3540] =	vst v0  }
0x17a: {  	v0 =	vld.idx.msk [tilespmem:v56+s2+$0x0], $0xffff  }
0x17b: {  	v61 =	vld [tilespmem:$0x2ED0]  }
0x17c: {  	v3 =	vld.idx.msk [tilespmem:v57+s2+$0x0], $0xffff  }
0x17d: {  	v62 =	vld [tilespmem:$0x2F50]  }
0x17e: {  	v1 =	vld.idx.msk [tilespmem:v58+s2+$0x0], $0xffff  }
0x17f: {  	v63 =	vld [tilespmem:$0x2FD0];
	v0 =	vadd.f32 $0.0e+00, v0  }
0x180: {  	v4 =	vld.idx.msk [tilespmem:v59+s2+$0x0], $0xffff  }
0x181: {  	v0 =	vadd.f32 v3, v0  }
0x182: {  	v2 =	vld.idx.msk [tilespmem:v60+s2+$0x0], $0xffff  }
0x183: {  	v0 =	vadd.f32 v1, v0  }
0x184: {  	v8 =	vld.idx.msk [tilespmem:v61+s2+$0x0], $0xffff  }
0x185: {  	v0 =	vadd.f32 v4, v0  }
0x186: {  	v9 =	vld.idx.msk [tilespmem:v62+s2+$0x0], $0xffff  }
0x187: {  	v0 =	vadd.f32 v2, v0  }
0x188: {  	v10 =	vld.idx.msk [tilespmem:v63+s2+$0x0], $0xffff  }
0x189: {  	v0 =	vadd.f32 v8, v0  }
0x18a: {  	v11 =	vld [tilespmem:$0x2C60]  }
0x18b: {  	v0 =	vadd.f32 v9, v0  }
0x18c: {  	v12 =	vld [tilespmem:$0x2CE0]  }
0x18d: {  	v0 =	vadd.f32 v10, v0  }
0x18e: {  	v13 =	vld [tilespmem:$0x2D60]  }
0x18f: {  	v0 =	vmul.f32 $1.250000000e-01, v0  }
0x190: {  	v14 =	vld [tilespmem:$0x2DE0]  }
0x191: {  	v15 =	vld [tilespmem:$0x2E60];
	[tilespmem:$0x3550] =	vst v0  }
0x192: {  	v0 =	vld.idx.msk [tilespmem:v11+s2+$0x0], $0xffff  }
0x193: {  	v16 =	vld [tilespmem:$0x2EE0]  }
0x194: {  	v3 =	vld.idx.msk [tilespmem:v12+s2+$0x0], $0xffff  }
0x195: {  	v17 =	vld [tilespmem:$0x2F60]  }
0x196: {  	v2 =	vld.idx.msk [tilespmem:v13+s2+$0x0], $0xffff  }
0x197: {  	v18 =	vld [tilespmem:$0x2FE0];
	v0 =	vadd.f32 $0.0e+00, v0  }
0x198: {  	v4 =	vld.idx.msk [tilespmem:v14+s2+$0x0], $0xffff  }
0x199: {  	v0 =	vadd.f32 v3, v0  }
0x19a: {  	v1 =	vld.idx.msk [tilespmem:v15+s2+$0x0], $0xffff  }
0x19b: {  	v0 =	vadd.f32 v2, v0  }
0x19c: {  	v19 =	vld.idx.msk [tilespmem:v16+s2+$0x0], $0xffff  }
0x19d: {  	v0 =	vadd.f32 v4, v0  }
0x19e: {  	v20 =	vld.idx.msk [tilespmem:v17+s2+$0x0], $0xffff  }
0x19f: {  	v0 =	vadd.f32 v1, v0  }
0x1a0: {  	v21 =	vld.idx.msk [tilespmem:v18+s2+$0x0], $0xffff  }
0x1a1: {  	v0 =	vadd.f32 v19, v0  }
0x1a2: {  	v22 =	vld [tilespmem:$0x2C70]  }
0x1a3: {  	v0 =	vadd.f32 v20, v0  }
0x1a4: {  	v23 =	vld [tilespmem:$0x2CF0]  }
0x1a5: {  	v0 =	vadd.f32 v21, v0  }
0x1a6: {  	v24 =	vld [tilespmem:$0x2D70]  }
0x1a7: {  	v0 =	vmul.f32 $1.250000000e-01, v0  }
0x1a8: {  	v25 =	vld [tilespmem:$0x2DF0]  }
0x1a9: {  	v26 =	vld [tilespmem:$0x2E70];
	[tilespmem:$0x3560] =	vst v0  }
0x1aa: {  	v0 =	vld.idx.msk [tilespmem:v22+s2+$0x0], $0xffff  }
0x1ab: {  	v27 =	vld [tilespmem:$0x2EF0]  }
0x1ac: {  	v3 =	vld.idx.msk [tilespmem:v23+s2+$0x0], $0xffff  }
0x1ad: {  	v28 =	vld [tilespmem:$0x2F70]  }
0x1ae: {  	v1 =	vld.idx.msk [tilespmem:v24+s2+$0x0], $0xffff  }
0x1af: {  	v29 =	vld [tilespmem:$0x2FF0];
	v0 =	vadd.f32 $0.0e+00, v0  }
0x1b0: {  	v4 =	vld.idx.msk [tilespmem:v25+s2+$0x0], $0xffff  }
0x1b1: {  	v0 =	vadd.f32 v3, v0  }
0x1b2: {  	v2 =	vld.idx.msk [tilespmem:v26+s2+$0x0], $0xffff  }
0x1b3: {  	v0 =	vadd.f32 v1, v0  }
0x1b4: {  	v30 =	vld.idx.msk [tilespmem:v27+s2+$0x0], $0xffff  }
0x1b5: {  	v0 =	vadd.f32 v4, v0  }
0x1b6: {  	v31 =	vld.idx.msk [tilespmem:v28+s2+$0x0], $0xffff  }
0x1b7: {  	v0 =	vadd.f32 v2, v0  }
0x1b8: {  	v32 =	vld.idx.msk [tilespmem:v29+s2+$0x0], $0xffff  }
0x1b9: {  	v0 =	vadd.f32 v30, v0  }
0x1ba: {  	v33 =	vld [tilespmem:$0x3000]  }
0x1bb: {  	v0 =	vadd.f32 v31, v0  }
0x1bc: {  	v34 =	vld [tilespmem:$0x3080]  }
0x1bd: {  	v0 =	vadd.f32 v32, v0  }
0x1be: {  	v35 =	vld [tilespmem:$0x3100]  }
0x1bf: {  	v0 =	vmul.f32 $1.250000000e-01, v0  }
0x1c0: {  	v36 =	vld [tilespmem:$0x3180]  }
0x1c1: {  	v37 =	vld [tilespmem:$0x3200];
	[tilespmem:$0x3570] =	vst v0  }
0x1c2: {  	v0 =	vld.idx.msk [tilespmem:v33+s2+$0x0], $0xffff  }
0x1c3: {  	v38 =	vld [tilespmem:$0x3280]  }
0x1c4: {  	v3 =	vld.idx.msk [tilespmem:v34+s2+$0x0], $0xffff  }
0x1c5: {  	v39 =	vld [tilespmem:$0x3300]  }
0x1c6: {  	v2 =	vld.idx.msk [tilespmem:v35+s2+$0x0], $0xffff  }
0x1c7: {  	v40 =	vld [tilespmem:$0x3380];
	v0 =	vadd.f32 $0.0e+00, v0  }
0x1c8: {  	v4 =	vld.idx.msk [tilespmem:v36+s2+$0x0], $0xffff  }
0x1c9: {  	v0 =	vadd.f32 v3, v0  }
0x1ca: {  	v1 =	vld.idx.msk [tilespmem:v37+s2+$0x0], $0xffff  }
0x1cb: {  	v0 =	vadd.f32 v2, v0  }
0x1cc: {  	v41 =	vld.idx.msk [tilespmem:v38+s2+$0x0], $0xffff  }
0x1cd: {  	v0 =	vadd.f32 v4, v0  }
0x1ce: {  	v42 =	vld.idx.msk [tilespmem:v39+s2+$0x0], $0xffff  }
0x1cf: {  	v0 =	vadd.f32 v1, v0  }
0x1d0: {  	v43 =	vld.idx.msk [tilespmem:v40+s2+$0x0], $0xffff  }
0x1d1: {  	v0 =	vadd.f32 v41, v0  }
0x1d2: {  	v44 =	vld [tilespmem:$0x3010]  }
0x1d3: {  	v0 =	vadd.f32 v42, v0  }
0x1d4: {  	v45 =	vld [tilespmem:$0x3090]  }
0x1d5: {  	v0 =	vadd.f32 v43, v0  }
0x1d6: {  	v46 =	vld [tilespmem:$0x3110]  }
0x1d7: {  	v0 =	vmul.f32 $1.250000000e-01, v0  }
0x1d8: {  	v47 =	vld [tilespmem:$0x3190]  }
0x1d9: {  	v48 =	vld [tilespmem:$0x3210];
	[tilespmem:$0x3580] =	vst v0  }
0x1da: {  	v0 =	vld.idx.msk [tilespmem:v44+s2+$0x0], $0xffff  }
0x1db: {  	v49 =	vld [tilespmem:$0x3290]  }
0x1dc: {  	v3 =	vld.idx.msk [tilespmem:v45+s2+$0x0], $0xffff  }
0x1dd: {  	v50 =	vld [tilespmem:$0x3310]  }
0x1de: {  	v1 =	vld.idx.msk [tilespmem:v46+s2+$0x0], $0xffff  }
0x1df: {  	v51 =	vld [tilespmem:$0x3390];
	v0 =	vadd.f32 $0.0e+00, v0  }
0x1e0: {  	v4 =	vld.idx.msk [tilespmem:v47+s2+$0x0], $0xffff  }
0x1e1: {  	v0 =	vadd.f32 v3, v0  }
0x1e2: {  	v2 =	vld.idx.msk [tilespmem:v48+s2+$0x0], $0xffff  }
0x1e3: {  	v0 =	vadd.f32 v1, v0  }
0x1e4: {  	v52 =	vld.idx.msk [tilespmem:v49+s2+$0x0], $0xffff  }
0x1e5: {  	v0 =	vadd.f32 v4, v0  }
0x1e6: {  	v53 =	vld.idx.msk [tilespmem:v50+s2+$0x0], $0xffff  }
0x1e7: {  	v0 =	vadd.f32 v2, v0  }
0x1e8: {  	v54 =	vld.idx.msk [tilespmem:v51+s2+$0x0], $0xffff  }
0x1e9: {  	v0 =	vadd.f32 v52, v0  }
0x1ea: {  	v55 =	vld [tilespmem:$0x3020]  }
0x1eb: {  	v0 =	vadd.f32 v53, v0  }
0x1ec: {  	v56 =	vld [tilespmem:$0x30A0]  }
0x1ed: {  	v0 =	vadd.f32 v54, v0  }
0x1ee: {  	v57 =	vld [tilespmem:$0x3120]  }
0x1ef: {  	v0 =	vmul.f32 $1.250000000e-01, v0  }
0x1f0: {  	v58 =	vld [tilespmem:$0x31A0]  }
0x1f1: {  	v59 =	vld [tilespmem:$0x3220];
	[tilespmem:$0x3590] =	vst v0  }
0x1f2: {  	v0 =	vld.idx.msk [tilespmem:v55+s2+$0x0], $0xffff  }
0x1f3: {  	v60 =	vld [tilespmem:$0x32A0]  }
0x1f4: {  	v3 =	vld.idx.msk [tilespmem:v56+s2+$0x0], $0xffff  }
0x1f5: {  	v61 =	vld [tilespmem:$0x3320]  }
0x1f6: {  	v2 =	vld.idx.msk [tilespmem:v57+s2+$0x0], $0xffff  }
0x1f7: {  	v62 =	vld [tilespmem:$0x33A0];
	v0 =	vadd.f32 $0.0e+00, v0  }
0x1f8: {  	v4 =	vld.idx.msk [tilespmem:v58+s2+$0x0], $0xffff  }
0x1f9: {  	v0 =	vadd.f32 v3, v0  }
0x1fa: {  	v1 =	vld.idx.msk [tilespmem:v59+s2+$0x0], $0xffff  }
0x1fb: {  	v0 =	vadd.f32 v2, v0  }
0x1fc: {  	v63 =	vld.idx.msk [tilespmem:v60+s2+$0x0], $0xffff  }
0x1fd: {  	v0 =	vadd.f32 v4, v0  }
0x1fe: {  	v6 =	vld.idx.msk [tilespmem:v61+s2+$0x0], $0xffff  }
0x1ff: {  	v0 =	vadd.f32 v1, v0  }
0x200: {  	v8 =	vld.idx.msk [tilespmem:v62+s2+$0x0], $0xffff  }
0x201: {  	v0 =	vadd.f32 v63, v0  }
0x202: {  	v9 =	vld [tilespmem:$0x3030]  }
0x203: {  	v0 =	vadd.f32 v6, v0  }
0x204: {  	v10 =	vld [tilespmem:$0x30B0]  }
0x205: {  	v0 =	vadd.f32 v8, v0  }
0x206: {  	v11 =	vld [tilespmem:$0x3130]  }
0x207: {  	v0 =	vmul.f32 $1.250000000e-01, v0  }
0x208: {  	v12 =	vld [tilespmem:$0x31B0]  }
0x209: {  	v13 =	vld [tilespmem:$0x3230];
	[tilespmem:$0x35A0] =	vst v0  }
0x20a: {  	v0 =	vld.idx.msk [tilespmem:v9+s2+$0x0], $0xffff  }
0x20b: {  	v14 =	vld [tilespmem:$0x32B0]  }
0x20c: {  	v3 =	vld.idx.msk [tilespmem:v10+s2+$0x0], $0xffff  }
0x20d: {  	v15 =	vld [tilespmem:$0x3330]  }
0x20e: {  	v1 =	vld.idx.msk [tilespmem:v11+s2+$0x0], $0xffff  }
0x20f: {  	v16 =	vld [tilespmem:$0x33B0];
	v0 =	vadd.f32 $0.0e+00, v0  }
0x210: {  	v4 =	vld.idx.msk [tilespmem:v12+s2+$0x0], $0xffff  }
0x211: {  	v0 =	vadd.f32 v3, v0  }
0x212: {  	v2 =	vld.idx.msk [tilespmem:v13+s2+$0x0], $0xffff  }
0x213: {  	v0 =	vadd.f32 v1, v0  }
0x214: {  	v17 =	vld.idx.msk [tilespmem:v14+s2+$0x0], $0xffff  }
0x215: {  	v0 =	vadd.f32 v4, v0  }
0x216: {  	v18 =	vld.idx.msk [tilespmem:v15+s2+$0x0], $0xffff  }
0x217: {  	v0 =	vadd.f32 v2, v0  }
0x218: {  	v19 =	vld.idx.msk [tilespmem:v16+s2+$0x0], $0xffff  }
0x219: {  	v0 =	vadd.f32 v17, v0  }
0x21a: {  	v20 =	vld [tilespmem:$0x3040]  }
0x21b: {  	v0 =	vadd.f32 v18, v0  }
0x21c: {  	v21 =	vld [tilespmem:$0x30C0]  }
0x21d: {  	v0 =	vadd.f32 v19, v0  }
0x21e: {  	v22 =	vld [tilespmem:$0x3140]  }
0x21f: {  	v0 =	vmul.f32 $1.250000000e-01, v0  }
0x220: {  	v23 =	vld [tilespmem:$0x31C0]  }
0x221: {  	v24 =	vld [tilespmem:$0x3240];
	[tilespmem:$0x35B0] =	vst v0  }
0x222: {  	v0 =	vld.idx.msk [tilespmem:v20+s2+$0x0], $0xffff  }
0x223: {  	v25 =	vld [tilespmem:$0x32C0]  }
0x224: {  	v3 =	vld.idx.msk [tilespmem:v21+s2+$0x0], $0xffff  }
0x225: {  	v26 =	vld [tilespmem:$0x3340]  }
0x226: {  	v2 =	vld.idx.msk [tilespmem:v22+s2+$0x0], $0xffff  }
0x227: {  	v27 =	vld [tilespmem:$0x33C0];
	v0 =	vadd.f32 $0.0e+00, v0  }
0x228: {  	v4 =	vld.idx.msk [tilespmem:v23+s2+$0x0], $0xffff  }
0x229: {  	v0 =	vadd.f32 v3, v0  }
0x22a: {  	v1 =	vld.idx.msk [tilespmem:v24+s2+$0x0], $0xffff  }
0x22b: {  	v0 =	vadd.f32 v2, v0  }
0x22c: {  	v28 =	vld.idx.msk [tilespmem:v25+s2+$0x0], $0xffff  }
0x22d: {  	v0 =	vadd.f32 v4, v0  }
0x22e: {  	v29 =	vld.idx.msk [tilespmem:v26+s2+$0x0], $0xffff  }
0x22f: {  	v0 =	vadd.f32 v1, v0  }
0x230: {  	v30 =	vld.idx.msk [tilespmem:v27+s2+$0x0], $0xffff  }
0x231: {  	v0 =	vadd.f32 v28, v0  }
0x232: {  	v31 =	vld [tilespmem:$0x3050]  }
0x233: {  	v0 =	vadd.f32 v29, v0  }
0x234: {  	v32 =	vld [tilespmem:$0x30D0]  }
0x235: {  	v0 =	vadd.f32 v30, v0  }
0x236: {  	v33 =	vld [tilespmem:$0x3150]  }
0x237: {  	v0 =	vmul.f32 $1.250000000e-01, v0  }
0x238: {  	v34 =	vld [tilespmem:$0x31D0]  }
0x239: {  	v35 =	vld [tilespmem:$0x3250];
	[tilespmem:$0x35C0] =	vst v0  }
0x23a: {  	v0 =	vld.idx.msk [tilespmem:v31+s2+$0x0], $0xffff  }
0x23b: {  	v36 =	vld [tilespmem:$0x32D0]  }
0x23c: {  	v3 =	vld.idx.msk [tilespmem:v32+s2+$0x0], $0xffff  }
0x23d: {  	v37 =	vld [tilespmem:$0x3350]  }
0x23e: {  	v1 =	vld.idx.msk [tilespmem:v33+s2+$0x0], $0xffff  }
0x23f: {  	v38 =	vld [tilespmem:$0x33D0];
	v0 =	vadd.f32 $0.0e+00, v0  }
0x240: {  	v4 =	vld.idx.msk [tilespmem:v34+s2+$0x0], $0xffff  }
0x241: {  	v0 =	vadd.f32 v3, v0  }
0x242: {  	v2 =	vld.idx.msk [tilespmem:v35+s2+$0x0], $0xffff  }
0x243: {  	v0 =	vadd.f32 v1, v0  }
0x244: {  	v39 =	vld.idx.msk [tilespmem:v36+s2+$0x0], $0xffff  }
0x245: {  	v0 =	vadd.f32 v4, v0  }
0x246: {  	v40 =	vld.idx.msk [tilespmem:v37+s2+$0x0], $0xffff  }
0x247: {  	v0 =	vadd.f32 v2, v0  }
0x248: {  	v41 =	vld.idx.msk [tilespmem:v38+s2+$0x0], $0xffff  }
0x249: {  	v0 =	vadd.f32 v39, v0  }
0x24a: {  	v42 =	vld [tilespmem:$0x3060]  }
0x24b: {  	v0 =	vadd.f32 v40, v0  }
0x24c: {  	v43 =	vld [tilespmem:$0x30E0]  }
0x24d: {  	v0 =	vadd.f32 v41, v0  }
0x24e: {  	v44 =	vld [tilespmem:$0x3160]  }
0x24f: {  	v0 =	vmul.f32 $1.250000000e-01, v0  }
0x250: {  	v45 =	vld [tilespmem:$0x31E0]  }
0x251: {  	v46 =	vld [tilespmem:$0x3260];
	[tilespmem:$0x35D0] =	vst v0  }
0x252: {  	v0 =	vld.idx.msk [tilespmem:v42+s2+$0x0], $0xffff  }
0x253: {  	v47 =	vld [tilespmem:$0x32E0]  }
0x254: {  	v3 =	vld.idx.msk [tilespmem:v43+s2+$0x0], $0xffff  }
0x255: {  	v48 =	vld [tilespmem:$0x3360]  }
0x256: {  	v2 =	vld.idx.msk [tilespmem:v44+s2+$0x0], $0xffff  }
0x257: {  	v49 =	vld [tilespmem:$0x33E0];
	v0 =	vadd.f32 $0.0e+00, v0  }
0x258: {  	v4 =	vld.idx.msk [tilespmem:v45+s2+$0x0], $0xffff  }
0x259: {  	v0 =	vadd.f32 v3, v0  }
0x25a: {  	v1 =	vld.idx.msk [tilespmem:v46+s2+$0x0], $0xffff  }
0x25b: {  	v0 =	vadd.f32 v2, v0  }
0x25c: {  	v50 =	vld.idx.msk [tilespmem:v47+s2+$0x0], $0xffff  }
0x25d: {  	v0 =	vadd.f32 v4, v0  }
0x25e: {  	v51 =	vld.idx.msk [tilespmem:v48+s2+$0x0], $0xffff  }
0x25f: {  	v0 =	vadd.f32 v1, v0  }
0x260: {  	v52 =	vld.idx.msk [tilespmem:v49+s2+$0x0], $0xffff  }
0x261: {  	v0 =	vadd.f32 v50, v0  }
0x262: {  	v53 =	vld [tilespmem:$0x3070]  }
0x263: {  	v0 =	vadd.f32 v51, v0  }
0x264: {  	v54 =	vld [tilespmem:$0x30F0]  }
0x265: {  	v0 =	vadd.f32 v52, v0  }
0x266: {  	v55 =	vld [tilespmem:$0x3170]  }
0x267: {  	v0 =	vmul.f32 $1.250000000e-01, v0  }
0x268: {  	v56 =	vld [tilespmem:$0x31F0]  }
0x269: {  	v57 =	vld [tilespmem:$0x3270];
	[tilespmem:$0x35E0] =	vst v0  }
0x26a: {  	v0 =	vld.idx.msk [tilespmem:v53+s2+$0x0], $0xffff  }
0x26b: {  	v58 =	vld [tilespmem:$0x32F0]  }
0x26c: {  	v3 =	vld.idx.msk [tilespmem:v54+s2+$0x0], $0xffff  }
0x26d: {  	v59 =	vld [tilespmem:$0x3370]  }
0x26e: {  	v1 =	vld.idx.msk [tilespmem:v55+s2+$0x0], $0xffff  }
0x26f: {  	v60 =	vld [tilespmem:$0x33F0];
	v0 =	vadd.f32 $0.0e+00, v0  }
0x270: {  	v4 =	vld.idx.msk [tilespmem:v56+s2+$0x0], $0xffff  }
0x271: {  	v0 =	vadd.f32 v3, v0  }
0x272: {  	v2 =	vld.idx.msk [tilespmem:v57+s2+$0x0], $0xffff  }
0x273: {  	v0 =	vadd.f32 v1, v0  }
0x274: {  	v61 =	vld.idx.msk [tilespmem:v58+s2+$0x0], $0xffff  }
0x275: {  	v0 =	vadd.f32 v4, v0  }
0x276: {  	v62 =	vld.idx.msk [tilespmem:v59+s2+$0x0], $0xffff  }
0x277: {  	v0 =	vadd.f32 v2, v0  }
0x278: {  	v63 =	vld.idx.msk [tilespmem:v60+s2+$0x0], $0xffff  }
0x279: {  	v0 =	vadd.f32 v61, v0;
	_ =	sdelay $0x1  }
0x27a: {  	v0 =	vadd.f32 v62, v0;
	_ =	sdelay $0x1  }
0x27b: {  	v0 =	vadd.f32 v63, v0;
	_ =	sdelay $0x1  }
0x27c: {  	v0 =	vmul.f32 $1.250000000e-01, v0;
	_ =	sdelay $0x1  }
0x27d: {  	[tilespmem:$0x35F0] =	vst v0  }
0x27e: {  	[hbm4b:s7+s2] =	stream.linear.scatter [tilespmem:s13], [sflag:$0x2], $0x100, $0x38;
	[tilespmem:$0x3600] =	vst v63  }
0x27f: {  	p0 =	sne.s32 s8, $0x1;
	_ =	swait.ge [sflag:s14], $0x100  }
.Ltmp0:
0x280: {  	[sflag:s14] =	ssyncset.done $0x0;
	(pc) =	sbr.rel @p0 .LBB2_1-.Ltmp0, $4  }
0x281: {  	[sflag:s14] =	ssyncadd.s32 $0xFFFFFF00  }
0x282: {  	_ =	swait.ge [sflag:s11], $0x100  }
0x283: {  	[sflag:s11] =	ssyncset.done $0x0  }
0x284: {  	s8 =	sadd.s32 $0xFFFFFFFF, s8;
	[sflag:s11] =	ssyncadd.s32 $0xFFFFFF00  }
0x285: {  	_ =	sfence.sel $0x180000  }
0x286: {  	[bflag:$0x0] =	sbarrier.arrive $0xFFFF  }
0x287: {  	p0 =	sne.s32 s1, $0x0;
	_ =	strace $0x90000047  }
0x288: {  	s0 =	sadd.s32 @!p0 $0x100000, s0;
	[bflag:$0x2] =	sbarrier.arrive $0xFFFF  }
0x289: {  	[sflag:s0] =	ssyncadd.tile.s32 @!p0 $0x1;
	_ =	shalt  }
.Lfunc_end2:
_tile_overlayer_lowered:
.L_overlay_start_2:
0x28a: {  	(tag) =	ssettag $0x2  }
0x28b: {  	s0 =	rddreg [dreg:$0x0];
	s2 =	stileid.u32  }
0x28c: {  	s1 =	rddreg [dreg:$0x1];
	p0 =	sne.s32 s2, $0x0  }
0x28d: {  	s3 =	rddreg [dreg:$0x2];
	[bflag:$0x3] =	sbarrier.arrive $0xFFFF;
	s2 =	simm.s32 @!p0 $0x1C02  }
0x28e: {  	[timem:s3], [sflag:s2] =	dma.local @!p0 [hbm:s0], s1  }
0x28f: {  	s0 =	simm.s32 @!p0 $0x2  }
0x290: {  	_ =	swait.ge @!p0 [sflag:s0], s1  }
0x291: {  	s1 =	ssub.s32 @!p0 $0x0, s1;
	[sflag:s0] =	ssyncset.done @!p0 $0x0  }
0x292: {  	[sflag:s0] =	ssyncadd.s32 @!p0 s1  }
0x293: {  	[bflag:$0x3] =	sbarrier.arrive $0xFFFF  }
0x294: {  	_ =	shalt  }

</sc_bundles>
